<compile_context>
chip_gen: v7x
topology: tpu7x:2x2x1
jax: 0.10.2.dev20260603
libtpu: 0.0.44.dev20260713+nightly
codegen_flags: <defaults>
</compile_context>

<pallas_src>
import functools

import jax
import jax.numpy as jnp
from jax import lax
from jax.experimental import pallas as pl
from jax.experimental.pallas import tpu as pltpu
from jax.experimental.pallas import tpu_sc as plsc

_N = 10000
_E = 320000
_D = 128
_NC = 2
_NS = 16
_NW = _NC * _NS
_K = 128
_EW = 80
_CH = 40
_NP = 10240
_STRIPE = _NP // _NS


@functools.cache
def _sc_mesh():
    return plsc.VectorSubcoreMesh(core_axis_name="c", subcore_axis_name="s",
                                  num_cores=_NC, num_subcores=_NS)


@functools.cache
def _sc_degree_kernel():
    @functools.partial(
        pl.kernel,
        out_type=jax.ShapeDtypeStruct((_NC, _NP), jnp.float32),
        mesh=_sc_mesh(),
        scratch_types=[
            pltpu.VMEM((_EW, _K), jnp.int32),
            pltpu.VMEM((_K,), jnp.float32),
            pltpu.VMEM_SHARED((_NP,), jnp.float32),
            pltpu.SemaphoreType.DMA,
        ],
    )
    def deg_kernel(edge_hbm, tail_hbm, ones_hbm, zeros_hbm, out_hbm,
                   dst_v, ones_v, deg_sh, sem):
        c = lax.axis_index("c")
        s = lax.axis_index("s")
        wid = c * _NS + s
        pltpu.sync_copy(zeros_hbm.at[pl.ds(s * _STRIPE, _STRIPE)],
                        deg_sh.at[pl.ds(s * _STRIPE, _STRIPE)])
        pltpu.sync_copy(ones_hbm, ones_v)

        @pl.when(wid < _NW - 1)
        def _():
            pltpu.sync_copy(edge_hbm.at[1].at[pl.ds(wid * _EW, _EW)], dst_v)

        @pl.when(wid == _NW - 1)
        def _():
            pltpu.sync_copy(tail_hbm.at[1], dst_v)

        plsc.subcore_barrier()

        @pl.loop(0, _EW)
        def _(j):
            pltpu.async_copy(ones_v, deg_sh.at[dst_v.at[j]], sem, add=True)

        @pl.loop(0, _EW)
        def _(j):
            pltpu.make_async_copy(ones_v, deg_sh.at[dst_v.at[j]], sem).wait()

        plsc.subcore_barrier()
        pltpu.sync_copy(deg_sh.at[pl.ds(s * _STRIPE, _STRIPE)],
                        out_hbm.at[c].at[pl.ds(s * _STRIPE, _STRIPE)])

    return deg_kernel


_MAIN = 2480
_TW = 80


@functools.cache
def _sc_aggregate_kernel():
    @functools.partial(
        pl.kernel,
        out_type=jax.ShapeDtypeStruct((_NC, _NP, _D), jnp.float32),
        mesh=_sc_mesh(),
        scratch_types=[
            pltpu.VMEM((_CH, _K), jnp.int32),
            pltpu.VMEM((_CH, _K), jnp.int32),
            pltpu.VMEM((_K, _D), jnp.float32),
            pltpu.VMEM((_K, _D), jnp.float32),
            pltpu.VMEM_SHARED((_NP, _D), jnp.float32),
            pltpu.SemaphoreType.DMA,
            pltpu.SemaphoreType.DMA,
        ],
    )
    def agg_kernel(g_hbm, edge_hbm, tail_hbm, zrow_hbm, out_hbm,
                   src_v, dst_v, rows_a, rows_b, acc_sh, sem_a, sem_b):
        c = lax.axis_index("c")
        s = lax.axis_index("s")
        base = (c * _NS + s) * _EW
        pltpu.sync_copy(zrow_hbm, rows_a)

        @pl.loop(0, _STRIPE // _K)
        def _(i):
            pltpu.async_copy(rows_a, acc_sh.at[pl.ds(s * _STRIPE + i * _K, _K)],
                             sem_a)

        @pl.loop(0, _STRIPE // _K)
        def _(i):
            pltpu.make_async_copy(
                rows_a, acc_sh.at[pl.ds(s * _STRIPE + i * _K, _K)],
                sem_a).wait()

        plsc.subcore_barrier()

        @pl.loop(0, _EW // _CH)
        def _(ci):
            wstart = base + ci * _CH

            @pl.when(wstart < _MAIN)
            def _():
                pltpu.sync_copy(edge_hbm.at[0].at[pl.ds(wstart, _CH)], src_v)
                pltpu.sync_copy(edge_hbm.at[1].at[pl.ds(wstart, _CH)], dst_v)

            @pl.when(wstart >= _MAIN)
            def _():
                pltpu.sync_copy(
                    tail_hbm.at[0].at[pl.ds(wstart - _MAIN, _CH)], src_v)
                pltpu.sync_copy(
                    tail_hbm.at[1].at[pl.ds(wstart - _MAIN, _CH)], dst_v)

            pltpu.async_copy(g_hbm.at[src_v.at[0]], rows_a, sem_a)
            pltpu.async_copy(g_hbm.at[src_v.at[1]], rows_b, sem_b)

            @pl.loop(0, _CH, step=2)
            def _(j):
                pltpu.make_async_copy(
                    g_hbm.at[src_v.at[j]], rows_a, sem_a).wait()
                pltpu.sync_copy(rows_a, acc_sh.at[dst_v.at[j]], add=True)

                @pl.when(j + 2 < _CH)
                def _():
                    pltpu.async_copy(
                        g_hbm.at[src_v.at[j + 2]], rows_a, sem_a)

                pltpu.make_async_copy(
                    g_hbm.at[src_v.at[j + 1]], rows_b, sem_b).wait()
                pltpu.sync_copy(rows_b, acc_sh.at[dst_v.at[j + 1]],
                                add=True)

                @pl.when(j + 3 < _CH)
                def _():
                    pltpu.async_copy(
                        g_hbm.at[src_v.at[j + 3]], rows_b, sem_b)

        plsc.subcore_barrier()
        pltpu.sync_copy(acc_sh.at[pl.ds(s * _STRIPE, _STRIPE)],
                        out_hbm.at[c].at[pl.ds(s * _STRIPE, _STRIPE)])

    return agg_kernel


def _sc_degree(edge3, tail3, ones_k, zeros_n):
    return _sc_degree_kernel()(edge3, tail3, ones_k, zeros_n)


def _sc_aggregate(g, edge3, tail3, zeros_row):
    return _sc_aggregate_kernel()(g, edge3, tail3, zeros_row)



_B = 2000


def _dinv_body(deg_ref, o_ref):
    ones2 = jnp.ones((2, 1), jnp.float32)
    degsum = lax.dot_general(deg_ref[...], ones2, (((0,), (0,)), ((), ())),
                             preferred_element_type=jnp.float32)
    o_ref[...] = lax.rsqrt(degsum + 1.0)


def _tc_dinv(deg2):
    return pl.pallas_call(
        _dinv_body,
        grid=(1,),
        in_specs=[pl.BlockSpec((2, _NP), lambda i: (0, 0))],
        out_specs=pl.BlockSpec((_NP, 1), lambda i: (0, 0)),
        out_shape=jax.ShapeDtypeStruct((_NP, 1), jnp.float32),
    )(deg2)


def _mm_scale_body(dinv_ref, x_ref, w_ref, o_ref):
    dinv = dinv_ref[...]
    o_ref[...] = jnp.dot(x_ref[...], w_ref[...],
                         preferred_element_type=jnp.float32) * dinv


def _combine_mm_body(dinv_ref, p_ref, g_ref, b_ref, w_ref, o_ref):
    dinv = dinv_ref[...]
    h = jnp.maximum((p_ref[0] + p_ref[1] + g_ref[...]) * dinv + b_ref[...], 0.0)
    o_ref[...] = jnp.dot(h, w_ref[...],
                         preferred_element_type=jnp.float32) * dinv


def _combine_out_body(dinv_ref, p_ref, g_ref, b_ref, o_ref):
    dinv = dinv_ref[...]
    o_ref[...] = jnp.maximum(
        (p_ref[0] + p_ref[1] + g_ref[...]) * dinv + b_ref[...], 0.0)


def _tc_mm_scale(dinvc, x, w):
    return pl.pallas_call(
        _mm_scale_body,
        grid=(_N // _B,),
        in_specs=[
            pl.BlockSpec((_B, 1), lambda i: (i, 0)),
            pl.BlockSpec((_B, _D), lambda i: (i, 0)),
            pl.BlockSpec((_D, _D), lambda i: (0, 0)),
        ],
        out_specs=pl.BlockSpec((_B, _D), lambda i: (i, 0)),
        out_shape=jax.ShapeDtypeStruct((_N, _D), jnp.float32),
    )(dinvc, x, w)


def _tc_combine_mm(dinvc, p, g, b, w):
    return pl.pallas_call(
        _combine_mm_body,
        grid=(_N // _B,),
        in_specs=[
            pl.BlockSpec((_B, 1), lambda i: (i, 0)),
            pl.BlockSpec((_NC, _B, _D), lambda i: (0, i, 0)),
            pl.BlockSpec((_B, _D), lambda i: (i, 0)),
            pl.BlockSpec((1, _D), lambda i: (0, 0)),
            pl.BlockSpec((_D, _D), lambda i: (0, 0)),
        ],
        out_specs=pl.BlockSpec((_B, _D), lambda i: (i, 0)),
        out_shape=jax.ShapeDtypeStruct((_N, _D), jnp.float32),
    )(dinvc, p, g, b, w)


def _tc_combine_out(dinvc, p, g, b):
    return pl.pallas_call(
        _combine_out_body,
        grid=(_N // _B,),
        in_specs=[
            pl.BlockSpec((_B, 1), lambda i: (i, 0)),
            pl.BlockSpec((_NC, _B, _D), lambda i: (0, i, 0)),
            pl.BlockSpec((_B, _D), lambda i: (i, 0)),
            pl.BlockSpec((1, _D), lambda i: (0, 0)),
        ],
        out_specs=pl.BlockSpec((_B, _D), lambda i: (i, 0)),
        out_shape=jax.ShapeDtypeStruct((_N, _D), jnp.float32),
    )(dinvc, p, g, b)



def kernel(x, edge_index, W1, b1, W2, b2):
    ei = edge_index.astype(jnp.int32)
    edge3 = ei.reshape(2, _E // _K, _K)
    npad = _TW * _K - (_E - _MAIN * _K)
    it = jnp.arange(npad, dtype=jnp.int32)
    pad2 = jnp.stack([it % _N, _N + it % (_NP - _N)])
    tail3 = jnp.concatenate(
        [ei[:, _MAIN * _K:], pad2], axis=1).reshape(2, _TW, _K)

    ones_k = jnp.ones((_K,), jnp.float32)
    zeros_n = jnp.zeros((_NP,), jnp.float32)
    zeros_row = jnp.zeros((_K, _D), jnp.float32)

    deg2 = _sc_degree(edge3, tail3, ones_k, zeros_n)
    dinvc = _tc_dinv(deg2)

    b1r = b1.reshape(1, _D)
    b2r = b2.reshape(1, _D)

    g1 = _tc_mm_scale(dinvc, x, W1)
    p1 = _sc_aggregate(g1, edge3, tail3, zeros_row)
    g2 = _tc_combine_mm(dinvc, p1, g1, b1r, W2)
    p2 = _sc_aggregate(g2, edge3, tail3, zeros_row)
    return _tc_combine_out(dinvc, p2, g2, b2r)

# --- scband reference (transcript-rebuilt; emitter-appended) ---
"""Pipeline reference for scband-tspe-1915555414201 (READ-ONLY COPY).

The authoritative reference and input builder live on the scoring server;
editing this copy changes nothing except your own understanding.
"""

import jax, jax.numpy as jnp
import numpy as np

N = 10000
E = 320000
D_IN = 128
D_H = 128


def setup_inputs(seed: int = 0) -> dict:
    key = jax.random.key(seed)
    k1, k2, k3, k4 = jax.random.split(key, 4)
    x = jax.random.normal(k1, (N, D_IN), dtype=jnp.float32)
    edge_index = jax.random.randint(k2, (2, E), 0, N)
    W1 = jax.random.normal(k3, (D_IN, D_H), dtype=jnp.float32) * (1.0 / np.sqrt(D_IN))
    b1 = jnp.zeros((D_H,), dtype=jnp.float32)
    W2 = jax.random.normal(k4, (D_H, D_H), dtype=jnp.float32) * (1.0 / np.sqrt(D_H))
    b2 = jnp.zeros((D_H,), dtype=jnp.float32)
    return {"x": x, "edge_index": edge_index, "W1": W1, "b1": b1, "W2": W2, "b2": b2}


def gcn_conv(x, edge_index, W, b):
    # Faithful PyG GCNConv: add self-loops, symmetric D^{-1/2}(A+I)D^{-1/2} normalization.
    n = x.shape[0]
    loop = jnp.arange(n, dtype=edge_index.dtype)
    src = jnp.concatenate([edge_index[0], loop])
    dst = jnp.concatenate([edge_index[1], loop])
    deg = jnp.zeros((n,), dtype=x.dtype).at[dst].add(1.0)
    dinv = jnp.where(deg > 0, jax.lax.rsqrt(deg), 0.0)
    norm = dinv[src] * dinv[dst]
    h = x @ W
    msg = h[src] * norm[:, None]
    out = jnp.zeros((n, h.shape[1]), dtype=x.dtype).at[dst].add(msg)
    return out + b


def reference(x, edge_index, W1, b1, W2, b2):
    h = jax.nn.relu(gcn_conv(x, edge_index, W1, b1))
    h = jax.nn.relu(gcn_conv(h, edge_index, W2, b2))
    return h

if __name__ == "__main__":
    import jax
    _d = setup_inputs()
    print(jax.jit(kernel)(*tuple(_d.values())))

</pallas_src>

<mosaic_0001>
#map = affine_map<(d0, d1) -> (0, 0, 0)>
#map1 = affine_map<(d0, d1) -> (0)>
#map2 = affine_map<(d0, d1) -> (0, 0)>
module attributes {stable_mosaic.version = 14 : i64} {
  func.func @deg_kernel(%arg0: i32, %arg1: i32, %arg2: memref<2x2500x128xi32, #tpu.memory_space<hbm>>, %arg3: memref<2x80x128xi32, #tpu.memory_space<hbm>>, %arg4: memref<128xf32, #tpu.memory_space<hbm>>, %arg5: memref<10240xf32, #tpu.memory_space<hbm>>, %arg6: memref<2x10240xf32, #tpu.memory_space<hbm>>, %arg7: memref<80x128xi32, #tpu.memory_space<vmem>>, %arg8: memref<128xf32, #tpu.memory_space<vmem>>, %arg9: memref<10240xf32, #tpu.memory_space<vmem_shared>>, %arg10: memref<!tpu.dma_semaphore, #tpu.memory_space<semaphore_mem>>) attributes {dimension_semantics = [#tpu.dimension_semantics<core_parallel>, #tpu.dimension_semantics<subcore_parallel>], iteration_bounds = array<i64: 2, 16>, scalar_prefetch = 0 : i64, scratch_operands = 4 : i64, tpu.core_type = #tpu.core_type<sc_vector_subcore>, window_params = [{transform_indices = #map}, {transform_indices = #map}, {transform_indices = #map1}, {transform_indices = #map1}, {transform_indices = #map2}]} {
    %mul3A = arith.constant 16 : i32
    %mul3A_0 = arith.muli %arg0, %mul3A : i32
    %add3A = arith.addi %mul3A_0, %arg1 : i32
    %mul3A_1 = arith.constant 640 : i32
    %mul3A_2 = arith.muli %arg1, %mul3A_1 : i32
    %mul3A_3 = arith.constant 640 : i32
    %mul3A_4 = arith.muli %arg1, %mul3A_3 : i32
    "tpu.region"() ({
      %run_scoped3A = tpu.sem_alloc : memref<!tpu.dma_semaphore, #tpu.memory_space<semaphore_mem>>
      %dma_start3A = tpu.memref_slice %arg9[%mul3A_4] : memref<10240xf32, #tpu.memory_space<vmem_shared>> -> memref<640xf32, #tpu.memory_space<vmem_shared>>
      %dma_start3A_25 = tpu.memref_slice %arg5[%mul3A_2] : memref<10240xf32, #tpu.memory_space<hbm>> -> memref<640xf32, #tpu.memory_space<hbm>>
      tpu.enqueue_dma source(%dma_start3A_25 : memref<640xf32, #tpu.memory_space<hbm>>) target(%dma_start3A : memref<640xf32, #tpu.memory_space<vmem_shared>>) target_semaphore(%run_scoped3A : memref<!tpu.dma_semaphore, #tpu.memory_space<semaphore_mem>>)
      %dma_wait3A = tpu.memref_slice %arg9[%mul3A_4] : memref<10240xf32, #tpu.memory_space<vmem_shared>> -> memref<640xf32, #tpu.memory_space<vmem_shared>>
      %dma_wait3A_26 = tpu.memref_slice %arg5[%mul3A_2] : memref<10240xf32, #tpu.memory_space<hbm>> -> memref<640xf32, #tpu.memory_space<hbm>>
      tpu.wait_dma2 semaphore(%run_scoped3A : memref<!tpu.dma_semaphore, #tpu.memory_space<semaphore_mem>>) src(%dma_wait3A_26 : memref<640xf32, #tpu.memory_space<hbm>>) dst(%dma_wait3A : memref<640xf32, #tpu.memory_space<vmem_shared>>)
      tpu.yield
    }) : () -> ()
    "tpu.region"() ({
      %run_scoped3A = tpu.sem_alloc : memref<!tpu.dma_semaphore, #tpu.memory_space<semaphore_mem>>
      tpu.enqueue_dma source(%arg4 : memref<128xf32, #tpu.memory_space<hbm>>) target(%arg8 : memref<128xf32, #tpu.memory_space<vmem>>) target_semaphore(%run_scoped3A : memref<!tpu.dma_semaphore, #tpu.memory_space<semaphore_mem>>)
      tpu.wait_dma2 semaphore(%run_scoped3A : memref<!tpu.dma_semaphore, #tpu.memory_space<semaphore_mem>>) src(%arg4 : memref<128xf32, #tpu.memory_space<hbm>>) dst(%arg8 : memref<128xf32, #tpu.memory_space<vmem>>)
      tpu.yield
    }) : () -> ()
    %lt3A = arith.constant 31 : i32
    %lt3A_5 = arith.cmpi slt, %add3A, %lt3A : i32
    %convert_element_type3A = arith.extui %lt3A_5 : i1 to i32
    %cond3A = arith.constant 0 : i32
    %cond3A_6 = arith.cmpi ne, %convert_element_type3A, %cond3A : i32
    scf.if %cond3A_6 {
      %mul3A_25 = arith.constant 80 : i32
      %mul3A_26 = arith.muli %add3A, %mul3A_25 : i32
      %run_scoped3A = arith.constant 1 : i32
      "tpu.region"() ({
        %run_scoped3A_27 = tpu.sem_alloc : memref<!tpu.dma_semaphore, #tpu.memory_space<semaphore_mem>>
        %dma_start3A = arith.constant 0 : i32
        %dma_start3A_28 = arith.constant 0 : i32
        %dma_start3A_29 = tpu.memref_slice %arg2[%run_scoped3A, %dma_start3A, %dma_start3A_28] : memref<2x2500x128xi32, #tpu.memory_space<hbm>> -> memref<1x2500x128xi32, #tpu.memory_space<hbm>>
        %dma_start3A_30 = tpu.memref_squeeze %dma_start3A_29 : memref<1x2500x128xi32, #tpu.memory_space<hbm>> -> memref<2500x128xi32, #tpu.memory_space<hbm>>
        %dma_start3A_31 = arith.constant 0 : i32
        %dma_start3A_32 = tpu.memref_slice %dma_start3A_30[%mul3A_26, %dma_start3A_31] : memref<2500x128xi32, #tpu.memory_space<hbm>> -> memref<80x128xi32, #tpu.memory_space<hbm>>
        %dma_start3A_33 = arith.constant 0 : i32
        %dma_start3A_34 = arith.constant 0 : i32
        %dma_start3A_35 = tpu.memref_slice %arg2[%run_scoped3A, %dma_start3A_33, %dma_start3A_34] : memref<2x2500x128xi32, #tpu.memory_space<hbm>> -> memref<1x2500x128xi32, #tpu.memory_space<hbm>>
        %dma_start3A_36 = tpu.memref_squeeze %dma_start3A_35 : memref<1x2500x128xi32, #tpu.memory_space<hbm>> -> memref<2500x128xi32, #tpu.memory_space<hbm>>
        %dma_start3A_37 = arith.constant 0 : i32
        %dma_start3A_38 = tpu.memref_slice %dma_start3A_36[%mul3A_26, %dma_start3A_37] : memref<2500x128xi32, #tpu.memory_space<hbm>> -> memref<80x128xi32, #tpu.memory_space<hbm>>
        tpu.enqueue_dma source(%dma_start3A_38 : memref<80x128xi32, #tpu.memory_space<hbm>>) target(%arg7 : memref<80x128xi32, #tpu.memory_space<vmem>>) target_semaphore(%run_scoped3A_27 : memref<!tpu.dma_semaphore, #tpu.memory_space<semaphore_mem>>)
        %dma_wait3A = arith.constant 0 : i32
        %dma_wait3A_39 = arith.constant 0 : i32
        %dma_wait3A_40 = tpu.memref_slice %arg2[%run_scoped3A, %dma_wait3A, %dma_wait3A_39] : memref<2x2500x128xi32, #tpu.memory_space<hbm>> -> memref<1x2500x128xi32, #tpu.memory_space<hbm>>
        %dma_wait3A_41 = tpu.memref_squeeze %dma_wait3A_40 : memref<1x2500x128xi32, #tpu.memory_space<hbm>> -> memref<2500x128xi32, #tpu.memory_space<hbm>>
        %dma_wait3A_42 = arith.constant 0 : i32
        %dma_wait3A_43 = tpu.memref_slice %dma_wait3A_41[%mul3A_26, %dma_wait3A_42] : memref<2500x128xi32, #tpu.memory_space<hbm>> -> memref<80x128xi32, #tpu.memory_space<hbm>>
        %dma_wait3A_44 = arith.constant 0 : i32
        %dma_wait3A_45 = arith.constant 0 : i32
        %dma_wait3A_46 = tpu.memref_slice %arg2[%run_scoped3A, %dma_wait3A_44, %dma_wait3A_45] : memref<2x2500x128xi32, #tpu.memory_space<hbm>> -> memref<1x2500x128xi32, #tpu.memory_space<hbm>>
        %dma_wait3A_47 = tpu.memref_squeeze %dma_wait3A_46 : memref<1x2500x128xi32, #tpu.memory_space<hbm>> -> memref<2500x128xi32, #tpu.memory_space<hbm>>
        %dma_wait3A_48 = arith.constant 0 : i32
        %dma_wait3A_49 = tpu.memref_slice %dma_wait3A_47[%mul3A_26, %dma_wait3A_48] : memref<2500x128xi32, #tpu.memory_space<hbm>> -> memref<80x128xi32, #tpu.memory_space<hbm>>
        tpu.wait_dma2 semaphore(%run_scoped3A_27 : memref<!tpu.dma_semaphore, #tpu.memory_space<semaphore_mem>>) src(%dma_wait3A_49 : memref<80x128xi32, #tpu.memory_space<hbm>>) dst(%arg7 : memref<80x128xi32, #tpu.memory_space<vmem>>)
        tpu.yield
      }) : () -> ()
    } else {
    }
    %eq3A = arith.constant 31 : i32
    %eq3A_7 = arith.cmpi eq, %add3A, %eq3A : i32
    %convert_element_type3A_8 = arith.extui %eq3A_7 : i1 to i32
    %cond3A_9 = arith.constant 0 : i32
    %cond3A_10 = arith.cmpi ne, %convert_element_type3A_8, %cond3A_9 : i32
    scf.if %cond3A_10 {
      %run_scoped3A = arith.constant 1 : i32
      "tpu.region"() ({
        %run_scoped3A_25 = tpu.sem_alloc : memref<!tpu.dma_semaphore, #tpu.memory_space<semaphore_mem>>
        %dma_start3A = arith.constant 0 : i32
        %dma_start3A_26 = arith.constant 0 : i32
        %dma_start3A_27 = tpu.memref_slice %arg3[%run_scoped3A, %dma_start3A, %dma_start3A_26] : memref<2x80x128xi32, #tpu.memory_space<hbm>> -> memref<1x80x128xi32, #tpu.memory_space<hbm>>
        %dma_start3A_28 = tpu.memref_squeeze %dma_start3A_27 : memref<1x80x128xi32, #tpu.memory_space<hbm>> -> memref<80x128xi32, #tpu.memory_space<hbm>>
        %dma_start3A_29 = arith.constant 0 : i32
        %dma_start3A_30 = arith.constant 0 : i32
        %dma_start3A_31 = tpu.memref_slice %arg3[%run_scoped3A, %dma_start3A_29, %dma_start3A_30] : memref<2x80x128xi32, #tpu.memory_space<hbm>> -> memref<1x80x128xi32, #tpu.memory_space<hbm>>
        %dma_start3A_32 = tpu.memref_squeeze %dma_start3A_31 : memref<1x80x128xi32, #tpu.memory_space<hbm>> -> memref<80x128xi32, #tpu.memory_space<hbm>>
        tpu.enqueue_dma source(%dma_start3A_32 : memref<80x128xi32, #tpu.memory_space<hbm>>) target(%arg7 : memref<80x128xi32, #tpu.memory_space<vmem>>) target_semaphore(%run_scoped3A_25 : memref<!tpu.dma_semaphore, #tpu.memory_space<semaphore_mem>>)
        %dma_wait3A = arith.constant 0 : i32
        %dma_wait3A_33 = arith.constant 0 : i32
        %dma_wait3A_34 = tpu.memref_slice %arg3[%run_scoped3A, %dma_wait3A, %dma_wait3A_33] : memref<2x80x128xi32, #tpu.memory_space<hbm>> -> memref<1x80x128xi32, #tpu.memory_space<hbm>>
        %dma_wait3A_35 = tpu.memref_squeeze %dma_wait3A_34 : memref<1x80x128xi32, #tpu.memory_space<hbm>> -> memref<80x128xi32, #tpu.memory_space<hbm>>
        %dma_wait3A_36 = arith.constant 0 : i32
        %dma_wait3A_37 = arith.constant 0 : i32
        %dma_wait3A_38 = tpu.memref_slice %arg3[%run_scoped3A, %dma_wait3A_36, %dma_wait3A_37] : memref<2x80x128xi32, #tpu.memory_space<hbm>> -> memref<1x80x128xi32, #tpu.memory_space<hbm>>
        %dma_wait3A_39 = tpu.memref_squeeze %dma_wait3A_38 : memref<1x80x128xi32, #tpu.memory_space<hbm>> -> memref<80x128xi32, #tpu.memory_space<hbm>>
        tpu.wait_dma2 semaphore(%run_scoped3A_25 : memref<!tpu.dma_semaphore, #tpu.memory_space<semaphore_mem>>) src(%dma_wait3A_39 : memref<80x128xi32, #tpu.memory_space<hbm>>) dst(%arg7 : memref<80x128xi32, #tpu.memory_space<vmem>>)
        tpu.yield
      }) : () -> ()
    } else {
    }
    %barrier3A = arith.constant 0 : index
    tpu.barrier barrier_id(%barrier3A)
    %scan3A = arith.constant 0 : i32
    %scan3A_11 = arith.constant 80 : i32
    %scan3A_12 = arith.addi %scan3A, %scan3A_11 : i32
    %scan3A_13 = arith.constant 1 : i32
    scf.for %scan3A_25 = %scan3A to %scan3A_12 step %scan3A_13  : i32 {
      %mul3A_26 = arith.constant 1 : i32
      %mul3A_27 = arith.muli %scan3A_25, %mul3A_26 : i32
      %add3A_28 = arith.constant 0 : i32
      %add3A_29 = arith.addi %add3A_28, %mul3A_27 : i32
      %dma_start3A = arith.constant 0 : i32
      %dma_start3A_30 = tpu.memref_slice %arg7[%add3A_29, %dma_start3A] : memref<80x128xi32, #tpu.memory_space<vmem>> -> memref<1x128xi32, #tpu.memory_space<vmem>>
      %dma_start3A_31 = tpu.memref_squeeze %dma_start3A_30 : memref<1x128xi32, #tpu.memory_space<vmem>> -> memref<128xi32, #tpu.memory_space<vmem>>
      %dma_start3A_32 = arith.constant 0 : i32
      %dma_start3A_33 = tpu.memref_slice %arg9[%dma_start3A_32] : memref<10240xf32, #tpu.memory_space<vmem_shared>> -> memref<10240xf32, #tpu.memory_space<vmem_shared>>
      tpu.enqueue_indirect_dma source(%arg8 : memref<128xf32, #tpu.memory_space<vmem>>) target(%dma_start3A_33 : memref<10240xf32, #tpu.memory_space<vmem_shared>>) offsets(%dma_start3A_31 : memref<128xi32, #tpu.memory_space<vmem>>) semaphore(%arg10 : memref<!tpu.dma_semaphore, #tpu.memory_space<semaphore_mem>>) {add = true}
    }
    %scan3A_14 = arith.constant 80 : i32
    %scan3A_15 = arith.constant 0 : i32
    %scan3A_16 = arith.constant 80 : i32
    %scan3A_17 = arith.addi %scan3A_15, %scan3A_16 : i32
    %scan3A_18 = arith.constant 1 : i32
    scf.for %scan3A_25 = %scan3A_15 to %scan3A_17 step %scan3A_18  : i32 {
      %mul3A_26 = arith.constant 1 : i32
      %mul3A_27 = arith.muli %scan3A_25, %mul3A_26 : i32
      %add3A_28 = arith.constant 0 : i32
      %add3A_29 = arith.addi %add3A_28, %mul3A_27 : i32
      %dma_wait3A = arith.constant 0 : i32
      %dma_wait3A_30 = tpu.memref_slice %arg7[%add3A_29, %dma_wait3A] : memref<80x128xi32, #tpu.memory_space<vmem>> -> memref<1x128xi32, #tpu.memory_space<vmem>>
      %dma_wait3A_31 = tpu.memref_squeeze %dma_wait3A_30 : memref<1x128xi32, #tpu.memory_space<vmem>> -> memref<128xi32, #tpu.memory_space<vmem>>
      %dma_wait3A_32 = arith.constant 0 : i32
      %dma_wait3A_33 = tpu.memref_slice %arg9[%dma_wait3A_32] : memref<10240xf32, #tpu.memory_space<vmem_shared>> -> memref<10240xf32, #tpu.memory_space<vmem_shared>>
      tpu.wait_indirect_dma semaphore(%arg10 : memref<!tpu.dma_semaphore, #tpu.memory_space<semaphore_mem>>) src(%arg8 : memref<128xf32, #tpu.memory_space<vmem>>) dst(%dma_wait3A_33 : memref<10240xf32, #tpu.memory_space<vmem_shared>>)
    }
    %scan3A_19 = arith.constant 80 : i32
    %barrier3A_20 = arith.constant 0 : index
    tpu.barrier barrier_id(%barrier3A_20)
    %mul3A_21 = arith.constant 640 : i32
    %mul3A_22 = arith.muli %arg1, %mul3A_21 : i32
    %mul3A_23 = arith.constant 640 : i32
    %mul3A_24 = arith.muli %arg1, %mul3A_23 : i32
    "tpu.region"() ({
      %run_scoped3A = tpu.sem_alloc : memref<!tpu.dma_semaphore, #tpu.memory_space<semaphore_mem>>
      %dma_start3A = arith.constant 0 : i32
      %dma_start3A_25 = tpu.memref_slice %arg6[%arg0, %dma_start3A] : memref<2x10240xf32, #tpu.memory_space<hbm>> -> memref<1x10240xf32, #tpu.memory_space<hbm>>
      %dma_start3A_26 = tpu.memref_squeeze %dma_start3A_25 : memref<1x10240xf32, #tpu.memory_space<hbm>> -> memref<10240xf32, #tpu.memory_space<hbm>>
      %dma_start3A_27 = tpu.memref_slice %dma_start3A_26[%mul3A_24] : memref<10240xf32, #tpu.memory_space<hbm>> -> memref<640xf32, #tpu.memory_space<hbm>>
      %dma_start3A_28 = tpu.memref_slice %arg9[%mul3A_22] : memref<10240xf32, #tpu.memory_space<vmem_shared>> -> memref<640xf32, #tpu.memory_space<vmem_shared>>
      tpu.enqueue_dma source(%dma_start3A_28 : memref<640xf32, #tpu.memory_space<vmem_shared>>) target(%dma_start3A_27 : memref<640xf32, #tpu.memory_space<hbm>>) target_semaphore(%run_scoped3A : memref<!tpu.dma_semaphore, #tpu.memory_space<semaphore_mem>>)
      %dma_wait3A = arith.constant 0 : i32
      %dma_wait3A_29 = tpu.memref_slice %arg6[%arg0, %dma_wait3A] : memref<2x10240xf32, #tpu.memory_space<hbm>> -> memref<1x10240xf32, #tpu.memory_space<hbm>>
      %dma_wait3A_30 = tpu.memref_squeeze %dma_wait3A_29 : memref<1x10240xf32, #tpu.memory_space<hbm>> -> memref<10240xf32, #tpu.memory_space<hbm>>
      %dma_wait3A_31 = tpu.memref_slice %dma_wait3A_30[%mul3A_24] : memref<10240xf32, #tpu.memory_space<hbm>> -> memref<640xf32, #tpu.memory_space<hbm>>
      %dma_wait3A_32 = tpu.memref_slice %arg9[%mul3A_22] : memref<10240xf32, #tpu.memory_space<vmem_shared>> -> memref<640xf32, #tpu.memory_space<vmem_shared>>
      tpu.wait_dma2 semaphore(%run_scoped3A : memref<!tpu.dma_semaphore, #tpu.memory_space<semaphore_mem>>) src(%dma_wait3A_32 : memref<640xf32, #tpu.memory_space<vmem_shared>>) dst(%dma_wait3A_31 : memref<640xf32, #tpu.memory_space<hbm>>)
      tpu.yield
    }) : () -> ()
    return
  }
}

#map = affine_map<(d0, d1) -> (0, 0)>
#map1 = affine_map<(d0, d1) -> (0, 0, 0)>
module attributes {stable_mosaic.version = 14 : i64} {
  func.func @agg_kernel(%arg0: i32, %arg1: i32, %arg2: memref<10000x128xf32, #tpu.memory_space<hbm>>, %arg3: memref<2x2500x128xi32, #tpu.memory_space<hbm>>, %arg4: memref<2x80x128xi32, #tpu.memory_space<hbm>>, %arg5: memref<128x128xf32, #tpu.memory_space<hbm>>, %arg6: memref<2x10240x128xf32, #tpu.memory_space<hbm>>, %arg7: memref<40x128xi32, #tpu.memory_space<vmem>>, %arg8: memref<40x128xi32, #tpu.memory_space<vmem>>, %arg9: memref<128x128xf32, #tpu.memory_space<vmem>>, %arg10: memref<128x128xf32, #tpu.memory_space<vmem>>, %arg11: memref<10240x128xf32, #tpu.memory_space<vmem_shared>>, %arg12: memref<!tpu.dma_semaphore, #tpu.memory_space<semaphore_mem>>, %arg13: memref<!tpu.dma_semaphore, #tpu.memory_space<semaphore_mem>>) attributes {dimension_semantics = [#tpu.dimension_semantics<core_parallel>, #tpu.dimension_semantics<subcore_parallel>], iteration_bounds = array<i64: 2, 16>, scalar_prefetch = 0 : i64, scratch_operands = 7 : i64, tpu.core_type = #tpu.core_type<sc_vector_subcore>, window_params = [{transform_indices = #map}, {transform_indices = #map1}, {transform_indices = #map1}, {transform_indices = #map}, {transform_indices = #map1}]} {
    %mul3A = arith.constant 16 : i32
    %mul3A_0 = arith.muli %arg0, %mul3A : i32
    %add3A = arith.addi %mul3A_0, %arg1 : i32
    %mul3A_1 = arith.constant 80 : i32
    %mul3A_2 = arith.muli %add3A, %mul3A_1 : i32
    "tpu.region"() ({
      %run_scoped3A = tpu.sem_alloc : memref<!tpu.dma_semaphore, #tpu.memory_space<semaphore_mem>>
      tpu.enqueue_dma source(%arg5 : memref<128x128xf32, #tpu.memory_space<hbm>>) target(%arg9 : memref<128x128xf32, #tpu.memory_space<vmem>>) target_semaphore(%run_scoped3A : memref<!tpu.dma_semaphore, #tpu.memory_space<semaphore_mem>>)
      tpu.wait_dma2 semaphore(%run_scoped3A : memref<!tpu.dma_semaphore, #tpu.memory_space<semaphore_mem>>) src(%arg5 : memref<128x128xf32, #tpu.memory_space<hbm>>) dst(%arg9 : memref<128x128xf32, #tpu.memory_space<vmem>>)
      tpu.yield
    }) : () -> ()
    %scan3A = arith.constant 0 : i32
    %scan3A_3 = arith.constant 5 : i32
    %scan3A_4 = arith.addi %scan3A, %scan3A_3 : i32
    %scan3A_5 = arith.constant 1 : i32
    scf.for %scan3A_22 = %scan3A to %scan3A_4 step %scan3A_5  : i32 {
      %mul3A_23 = arith.constant 1 : i32
      %mul3A_24 = arith.muli %scan3A_22, %mul3A_23 : i32
      %add3A_25 = arith.constant 0 : i32
      %add3A_26 = arith.addi %add3A_25, %mul3A_24 : i32
      %mul3A_27 = arith.constant 640 : i32
      %mul3A_28 = arith.muli %arg1, %mul3A_27 : i32
      %mul3A_29 = arith.constant 128 : i32
      %mul3A_30 = arith.muli %add3A_26, %mul3A_29 : i32
      %add3A_31 = arith.addi %mul3A_28, %mul3A_30 : i32
      %dma_start3A = arith.constant 0 : i32
      %dma_start3A_32 = tpu.memref_slice %arg11[%add3A_31, %dma_start3A] : memref<10240x128xf32, #tpu.memory_space<vmem_shared>> -> memref<128x128xf32, #tpu.memory_space<vmem_shared>>
      %dma_start3A_33 = arith.constant 0 : i32
      %dma_start3A_34 = tpu.memref_slice %arg11[%add3A_31, %dma_start3A_33] : memref<10240x128xf32, #tpu.memory_space<vmem_shared>> -> memref<128x128xf32, #tpu.memory_space<vmem_shared>>
      tpu.enqueue_dma source(%arg9 : memref<128x128xf32, #tpu.memory_space<vmem>>) target(%dma_start3A_34 : memref<128x128xf32, #tpu.memory_space<vmem_shared>>) target_semaphore(%arg12 : memref<!tpu.dma_semaphore, #tpu.memory_space<semaphore_mem>>)
    }
    %scan3A_6 = arith.constant 5 : i32
    %scan3A_7 = arith.constant 0 : i32
    %scan3A_8 = arith.constant 5 : i32
    %scan3A_9 = arith.addi %scan3A_7, %scan3A_8 : i32
    %scan3A_10 = arith.constant 1 : i32
    scf.for %scan3A_22 = %scan3A_7 to %scan3A_9 step %scan3A_10  : i32 {
      %mul3A_23 = arith.constant 1 : i32
      %mul3A_24 = arith.muli %scan3A_22, %mul3A_23 : i32
      %add3A_25 = arith.constant 0 : i32
      %add3A_26 = arith.addi %add3A_25, %mul3A_24 : i32
      %mul3A_27 = arith.constant 640 : i32
      %mul3A_28 = arith.muli %arg1, %mul3A_27 : i32
      %mul3A_29 = arith.constant 128 : i32
      %mul3A_30 = arith.muli %add3A_26, %mul3A_29 : i32
      %add3A_31 = arith.addi %mul3A_28, %mul3A_30 : i32
      %dma_wait3A = arith.constant 0 : i32
      %dma_wait3A_32 = tpu.memref_slice %arg11[%add3A_31, %dma_wait3A] : memref<10240x128xf32, #tpu.memory_space<vmem_shared>> -> memref<128x128xf32, #tpu.memory_space<vmem_shared>>
      %dma_wait3A_33 = arith.constant 0 : i32
      %dma_wait3A_34 = tpu.memref_slice %arg11[%add3A_31, %dma_wait3A_33] : memref<10240x128xf32, #tpu.memory_space<vmem_shared>> -> memref<128x128xf32, #tpu.memory_space<vmem_shared>>
      tpu.wait_dma2 semaphore(%arg12 : memref<!tpu.dma_semaphore, #tpu.memory_space<semaphore_mem>>) src(%arg9 : memref<128x128xf32, #tpu.memory_space<vmem>>) dst(%dma_wait3A_34 : memref<128x128xf32, #tpu.memory_space<vmem_shared>>)
    }
    %scan3A_11 = arith.constant 5 : i32
    %barrier3A = arith.constant 0 : index
    tpu.barrier barrier_id(%barrier3A)
    %scan3A_12 = arith.constant 0 : i32
    %scan3A_13 = arith.constant 2 : i32
    %scan3A_14 = arith.addi %scan3A_12, %scan3A_13 : i32
    %scan3A_15 = arith.constant 1 : i32
    scf.for %scan3A_22 = %scan3A_12 to %scan3A_14 step %scan3A_15  : i32 {
      %mul3A_23 = arith.constant 1 : i32
      %mul3A_24 = arith.muli %scan3A_22, %mul3A_23 : i32
      %add3A_25 = arith.constant 0 : i32
      %add3A_26 = arith.addi %add3A_25, %mul3A_24 : i32
      %mul3A_27 = arith.constant 40 : i32
      %mul3A_28 = arith.muli %add3A_26, %mul3A_27 : i32
      %add3A_29 = arith.addi %mul3A_2, %mul3A_28 : i32
      %lt3A = arith.constant 2480 : i32
      %lt3A_30 = arith.cmpi slt, %add3A_29, %lt3A : i32
      %convert_element_type3A = arith.extui %lt3A_30 : i1 to i32
      %cond3A = arith.constant 0 : i32
      %cond3A_31 = arith.cmpi ne, %convert_element_type3A, %cond3A : i32
      scf.if %cond3A_31 {
        %run_scoped3A = arith.constant 0 : i32
        "tpu.region"() ({
          %run_scoped3A_55 = tpu.sem_alloc : memref<!tpu.dma_semaphore, #tpu.memory_space<semaphore_mem>>
          %dma_start3A_56 = arith.constant 0 : i32
          %dma_start3A_57 = arith.constant 0 : i32
          %dma_start3A_58 = tpu.memref_slice %arg3[%run_scoped3A, %dma_start3A_56, %dma_start3A_57] : memref<2x2500x128xi32, #tpu.memory_space<hbm>> -> memref<1x2500x128xi32, #tpu.memory_space<hbm>>
          %dma_start3A_59 = tpu.memref_squeeze %dma_start3A_58 : memref<1x2500x128xi32, #tpu.memory_space<hbm>> -> memref<2500x128xi32, #tpu.memory_space<hbm>>
          %dma_start3A_60 = arith.constant 0 : i32
          %dma_start3A_61 = tpu.memref_slice %dma_start3A_59[%add3A_29, %dma_start3A_60] : memref<2500x128xi32, #tpu.memory_space<hbm>> -> memref<40x128xi32, #tpu.memory_space<hbm>>
          %dma_start3A_62 = arith.constant 0 : i32
          %dma_start3A_63 = arith.constant 0 : i32
          %dma_start3A_64 = tpu.memref_slice %arg3[%run_scoped3A, %dma_start3A_62, %dma_start3A_63] : memref<2x2500x128xi32, #tpu.memory_space<hbm>> -> memref<1x2500x128xi32, #tpu.memory_space<hbm>>
          %dma_start3A_65 = tpu.memref_squeeze %dma_start3A_64 : memref<1x2500x128xi32, #tpu.memory_space<hbm>> -> memref<2500x128xi32, #tpu.memory_space<hbm>>
          %dma_start3A_66 = arith.constant 0 : i32
          %dma_start3A_67 = tpu.memref_slice %dma_start3A_65[%add3A_29, %dma_start3A_66] : memref<2500x128xi32, #tpu.memory_space<hbm>> -> memref<40x128xi32, #tpu.memory_space<hbm>>
          tpu.enqueue_dma source(%dma_start3A_67 : memref<40x128xi32, #tpu.memory_space<hbm>>) target(%arg7 : memref<40x128xi32, #tpu.memory_space<vmem>>) target_semaphore(%run_scoped3A_55 : memref<!tpu.dma_semaphore, #tpu.memory_space<semaphore_mem>>)
          %dma_wait3A = arith.constant 0 : i32
          %dma_wait3A_68 = arith.constant 0 : i32
          %dma_wait3A_69 = tpu.memref_slice %arg3[%run_scoped3A, %dma_wait3A, %dma_wait3A_68] : memref<2x2500x128xi32, #tpu.memory_space<hbm>> -> memref<1x2500x128xi32, #tpu.memory_space<hbm>>
          %dma_wait3A_70 = tpu.memref_squeeze %dma_wait3A_69 : memref<1x2500x128xi32, #tpu.memory_space<hbm>> -> memref<2500x128xi32, #tpu.memory_space<hbm>>
          %dma_wait3A_71 = arith.constant 0 : i32
          %dma_wait3A_72 = tpu.memref_slice %dma_wait3A_70[%add3A_29, %dma_wait3A_71] : memref<2500x128xi32, #tpu.memory_space<hbm>> -> memref<40x128xi32, #tpu.memory_space<hbm>>
          %dma_wait3A_73 = arith.constant 0 : i32
          %dma_wait3A_74 = arith.constant 0 : i32
          %dma_wait3A_75 = tpu.memref_slice %arg3[%run_scoped3A, %dma_wait3A_73, %dma_wait3A_74] : memref<2x2500x128xi32, #tpu.memory_space<hbm>> -> memref<1x2500x128xi32, #tpu.memory_space<hbm>>
          %dma_wait3A_76 = tpu.memref_squeeze %dma_wait3A_75 : memref<1x2500x128xi32, #tpu.memory_space<hbm>> -> memref<2500x128xi32, #tpu.memory_space<hbm>>
          %dma_wait3A_77 = arith.constant 0 : i32
          %dma_wait3A_78 = tpu.memref_slice %dma_wait3A_76[%add3A_29, %dma_wait3A_77] : memref<2500x128xi32, #tpu.memory_space<hbm>> -> memref<40x128xi32, #tpu.memory_space<hbm>>
          tpu.wait_dma2 semaphore(%run_scoped3A_55 : memref<!tpu.dma_semaphore, #tpu.memory_space<semaphore_mem>>) src(%dma_wait3A_78 : memref<40x128xi32, #tpu.memory_space<hbm>>) dst(%arg7 : memref<40x128xi32, #tpu.memory_space<vmem>>)
          tpu.yield
        }) : () -> ()
        %run_scoped3A_54 = arith.constant 1 : i32
        "tpu.region"() ({
          %run_scoped3A_55 = tpu.sem_alloc : memref<!tpu.dma_semaphore, #tpu.memory_space<semaphore_mem>>
          %dma_start3A_56 = arith.constant 0 : i32
          %dma_start3A_57 = arith.constant 0 : i32
          %dma_start3A_58 = tpu.memref_slice %arg3[%run_scoped3A_54, %dma_start3A_56, %dma_start3A_57] : memref<2x2500x128xi32, #tpu.memory_space<hbm>> -> memref<1x2500x128xi32, #tpu.memory_space<hbm>>
          %dma_start3A_59 = tpu.memref_squeeze %dma_start3A_58 : memref<1x2500x128xi32, #tpu.memory_space<hbm>> -> memref<2500x128xi32, #tpu.memory_space<hbm>>
          %dma_start3A_60 = arith.constant 0 : i32
          %dma_start3A_61 = tpu.memref_slice %dma_start3A_59[%add3A_29, %dma_start3A_60] : memref<2500x128xi32, #tpu.memory_space<hbm>> -> memref<40x128xi32, #tpu.memory_space<hbm>>
          %dma_start3A_62 = arith.constant 0 : i32
          %dma_start3A_63 = arith.constant 0 : i32
          %dma_start3A_64 = tpu.memref_slice %arg3[%run_scoped3A_54, %dma_start3A_62, %dma_start3A_63] : memref<2x2500x128xi32, #tpu.memory_space<hbm>> -> memref<1x2500x128xi32, #tpu.memory_space<hbm>>
          %dma_start3A_65 = tpu.memref_squeeze %dma_start3A_64 : memref<1x2500x128xi32, #tpu.memory_space<hbm>> -> memref<2500x128xi32, #tpu.memory_space<hbm>>
          %dma_start3A_66 = arith.constant 0 : i32
          %dma_start3A_67 = tpu.memref_slice %dma_start3A_65[%add3A_29, %dma_start3A_66] : memref<2500x128xi32, #tpu.memory_space<hbm>> -> memref<40x128xi32, #tpu.memory_space<hbm>>
          tpu.enqueue_dma source(%dma_start3A_67 : memref<40x128xi32, #tpu.memory_space<hbm>>) target(%arg8 : memref<40x128xi32, #tpu.memory_space<vmem>>) target_semaphore(%run_scoped3A_55 : memref<!tpu.dma_semaphore, #tpu.memory_space<semaphore_mem>>)
          %dma_wait3A = arith.constant 0 : i32
          %dma_wait3A_68 = arith.constant 0 : i32
          %dma_wait3A_69 = tpu.memref_slice %arg3[%run_scoped3A_54, %dma_wait3A, %dma_wait3A_68] : memref<2x2500x128xi32, #tpu.memory_space<hbm>> -> memref<1x2500x128xi32, #tpu.memory_space<hbm>>
          %dma_wait3A_70 = tpu.memref_squeeze %dma_wait3A_69 : memref<1x2500x128xi32, #tpu.memory_space<hbm>> -> memref<2500x128xi32, #tpu.memory_space<hbm>>
          %dma_wait3A_71 = arith.constant 0 : i32
          %dma_wait3A_72 = tpu.memref_slice %dma_wait3A_70[%add3A_29, %dma_wait3A_71] : memref<2500x128xi32, #tpu.memory_space<hbm>> -> memref<40x128xi32, #tpu.memory_space<hbm>>
          %dma_wait3A_73 = arith.constant 0 : i32
          %dma_wait3A_74 = arith.constant 0 : i32
          %dma_wait3A_75 = tpu.memref_slice %arg3[%run_scoped3A_54, %dma_wait3A_73, %dma_wait3A_74] : memref<2x2500x128xi32, #tpu.memory_space<hbm>> -> memref<1x2500x128xi32, #tpu.memory_space<hbm>>
          %dma_wait3A_76 = tpu.memref_squeeze %dma_wait3A_75 : memref<1x2500x128xi32, #tpu.memory_space<hbm>> -> memref<2500x128xi32, #tpu.memory_space<hbm>>
          %dma_wait3A_77 = arith.constant 0 : i32
          %dma_wait3A_78 = tpu.memref_slice %dma_wait3A_76[%add3A_29, %dma_wait3A_77] : memref<2500x128xi32, #tpu.memory_space<hbm>> -> memref<40x128xi32, #tpu.memory_space<hbm>>
          tpu.wait_dma2 semaphore(%run_scoped3A_55 : memref<!tpu.dma_semaphore, #tpu.memory_space<semaphore_mem>>) src(%dma_wait3A_78 : memref<40x128xi32, #tpu.memory_space<hbm>>) dst(%arg8 : memref<40x128xi32, #tpu.memory_space<vmem>>)
          tpu.yield
        }) : () -> ()
      } else {
      }
      %ge3A = arith.constant 2480 : i32
      %ge3A_32 = arith.cmpi sge, %add3A_29, %ge3A : i32
      %convert_element_type3A_33 = arith.extui %ge3A_32 : i1 to i32
      %cond3A_34 = arith.constant 0 : i32
      %cond3A_35 = arith.cmpi ne, %convert_element_type3A_33, %cond3A_34 : i32
      scf.if %cond3A_35 {
        %sub3A = arith.constant 2480 : i32
        %sub3A_54 = arith.subi %add3A_29, %sub3A : i32
        %run_scoped3A = arith.constant 0 : i32
        "tpu.region"() ({
          %run_scoped3A_58 = tpu.sem_alloc : memref<!tpu.dma_semaphore, #tpu.memory_space<semaphore_mem>>
          %dma_start3A_59 = arith.constant 0 : i32
          %dma_start3A_60 = arith.constant 0 : i32
          %dma_start3A_61 = tpu.memref_slice %arg4[%run_scoped3A, %dma_start3A_59, %dma_start3A_60] : memref<2x80x128xi32, #tpu.memory_space<hbm>> -> memref<1x80x128xi32, #tpu.memory_space<hbm>>
          %dma_start3A_62 = tpu.memref_squeeze %dma_start3A_61 : memref<1x80x128xi32, #tpu.memory_space<hbm>> -> memref<80x128xi32, #tpu.memory_space<hbm>>
          %dma_start3A_63 = arith.constant 0 : i32
          %dma_start3A_64 = tpu.memref_slice %dma_start3A_62[%sub3A_54, %dma_start3A_63] : memref<80x128xi32, #tpu.memory_space<hbm>> -> memref<40x128xi32, #tpu.memory_space<hbm>>
          %dma_start3A_65 = arith.constant 0 : i32
          %dma_start3A_66 = arith.constant 0 : i32
          %dma_start3A_67 = tpu.memref_slice %arg4[%run_scoped3A, %dma_start3A_65, %dma_start3A_66] : memref<2x80x128xi32, #tpu.memory_space<hbm>> -> memref<1x80x128xi32, #tpu.memory_space<hbm>>
          %dma_start3A_68 = tpu.memref_squeeze %dma_start3A_67 : memref<1x80x128xi32, #tpu.memory_space<hbm>> -> memref<80x128xi32, #tpu.memory_space<hbm>>
          %dma_start3A_69 = arith.constant 0 : i32
          %dma_start3A_70 = tpu.memref_slice %dma_start3A_68[%sub3A_54, %dma_start3A_69] : memref<80x128xi32, #tpu.memory_space<hbm>> -> memref<40x128xi32, #tpu.memory_space<hbm>>
          tpu.enqueue_dma source(%dma_start3A_70 : memref<40x128xi32, #tpu.memory_space<hbm>>) target(%arg7 : memref<40x128xi32, #tpu.memory_space<vmem>>) target_semaphore(%run_scoped3A_58 : memref<!tpu.dma_semaphore, #tpu.memory_space<semaphore_mem>>)
          %dma_wait3A = arith.constant 0 : i32
          %dma_wait3A_71 = arith.constant 0 : i32
          %dma_wait3A_72 = tpu.memref_slice %arg4[%run_scoped3A, %dma_wait3A, %dma_wait3A_71] : memref<2x80x128xi32, #tpu.memory_space<hbm>> -> memref<1x80x128xi32, #tpu.memory_space<hbm>>
          %dma_wait3A_73 = tpu.memref_squeeze %dma_wait3A_72 : memref<1x80x128xi32, #tpu.memory_space<hbm>> -> memref<80x128xi32, #tpu.memory_space<hbm>>
          %dma_wait3A_74 = arith.constant 0 : i32
          %dma_wait3A_75 = tpu.memref_slice %dma_wait3A_73[%sub3A_54, %dma_wait3A_74] : memref<80x128xi32, #tpu.memory_space<hbm>> -> memref<40x128xi32, #tpu.memory_space<hbm>>
          %dma_wait3A_76 = arith.constant 0 : i32
          %dma_wait3A_77 = arith.constant 0 : i32
          %dma_wait3A_78 = tpu.memref_slice %arg4[%run_scoped3A, %dma_wait3A_76, %dma_wait3A_77] : memref<2x80x128xi32, #tpu.memory_space<hbm>> -> memref<1x80x128xi32, #tpu.memory_space<hbm>>
          %dma_wait3A_79 = tpu.memref_squeeze %dma_wait3A_78 : memref<1x80x128xi32, #tpu.memory_space<hbm>> -> memref<80x128xi32, #tpu.memory_space<hbm>>
          %dma_wait3A_80 = arith.constant 0 : i32
          %dma_wait3A_81 = tpu.memref_slice %dma_wait3A_79[%sub3A_54, %dma_wait3A_80] : memref<80x128xi32, #tpu.memory_space<hbm>> -> memref<40x128xi32, #tpu.memory_space<hbm>>
          tpu.wait_dma2 semaphore(%run_scoped3A_58 : memref<!tpu.dma_semaphore, #tpu.memory_space<semaphore_mem>>) src(%dma_wait3A_81 : memref<40x128xi32, #tpu.memory_space<hbm>>) dst(%arg7 : memref<40x128xi32, #tpu.memory_space<vmem>>)
          tpu.yield
        }) : () -> ()
        %sub3A_55 = arith.constant 2480 : i32
        %sub3A_56 = arith.subi %add3A_29, %sub3A_55 : i32
        %run_scoped3A_57 = arith.constant 1 : i32
        "tpu.region"() ({
          %run_scoped3A_58 = tpu.sem_alloc : memref<!tpu.dma_semaphore, #tpu.memory_space<semaphore_mem>>
          %dma_start3A_59 = arith.constant 0 : i32
          %dma_start3A_60 = arith.constant 0 : i32
          %dma_start3A_61 = tpu.memref_slice %arg4[%run_scoped3A_57, %dma_start3A_59, %dma_start3A_60] : memref<2x80x128xi32, #tpu.memory_space<hbm>> -> memref<1x80x128xi32, #tpu.memory_space<hbm>>
          %dma_start3A_62 = tpu.memref_squeeze %dma_start3A_61 : memref<1x80x128xi32, #tpu.memory_space<hbm>> -> memref<80x128xi32, #tpu.memory_space<hbm>>
          %dma_start3A_63 = arith.constant 0 : i32
          %dma_start3A_64 = tpu.memref_slice %dma_start3A_62[%sub3A_56, %dma_start3A_63] : memref<80x128xi32, #tpu.memory_space<hbm>> -> memref<40x128xi32, #tpu.memory_space<hbm>>
          %dma_start3A_65 = arith.constant 0 : i32
          %dma_start3A_66 = arith.constant 0 : i32
          %dma_start3A_67 = tpu.memref_slice %arg4[%run_scoped3A_57, %dma_start3A_65, %dma_start3A_66] : memref<2x80x128xi32, #tpu.memory_space<hbm>> -> memref<1x80x128xi32, #tpu.memory_space<hbm>>
          %dma_start3A_68 = tpu.memref_squeeze %dma_start3A_67 : memref<1x80x128xi32, #tpu.memory_space<hbm>> -> memref<80x128xi32, #tpu.memory_space<hbm>>
          %dma_start3A_69 = arith.constant 0 : i32
          %dma_start3A_70 = tpu.memref_slice %dma_start3A_68[%sub3A_56, %dma_start3A_69] : memref<80x128xi32, #tpu.memory_space<hbm>> -> memref<40x128xi32, #tpu.memory_space<hbm>>
          tpu.enqueue_dma source(%dma_start3A_70 : memref<40x128xi32, #tpu.memory_space<hbm>>) target(%arg8 : memref<40x128xi32, #tpu.memory_space<vmem>>) target_semaphore(%run_scoped3A_58 : memref<!tpu.dma_semaphore, #tpu.memory_space<semaphore_mem>>)
          %dma_wait3A = arith.constant 0 : i32
          %dma_wait3A_71 = arith.constant 0 : i32
          %dma_wait3A_72 = tpu.memref_slice %arg4[%run_scoped3A_57, %dma_wait3A, %dma_wait3A_71] : memref<2x80x128xi32, #tpu.memory_space<hbm>> -> memref<1x80x128xi32, #tpu.memory_space<hbm>>
          %dma_wait3A_73 = tpu.memref_squeeze %dma_wait3A_72 : memref<1x80x128xi32, #tpu.memory_space<hbm>> -> memref<80x128xi32, #tpu.memory_space<hbm>>
          %dma_wait3A_74 = arith.constant 0 : i32
          %dma_wait3A_75 = tpu.memref_slice %dma_wait3A_73[%sub3A_56, %dma_wait3A_74] : memref<80x128xi32, #tpu.memory_space<hbm>> -> memref<40x128xi32, #tpu.memory_space<hbm>>
          %dma_wait3A_76 = arith.constant 0 : i32
          %dma_wait3A_77 = arith.constant 0 : i32
          %dma_wait3A_78 = tpu.memref_slice %arg4[%run_scoped3A_57, %dma_wait3A_76, %dma_wait3A_77] : memref<2x80x128xi32, #tpu.memory_space<hbm>> -> memref<1x80x128xi32, #tpu.memory_space<hbm>>
          %dma_wait3A_79 = tpu.memref_squeeze %dma_wait3A_78 : memref<1x80x128xi32, #tpu.memory_space<hbm>> -> memref<80x128xi32, #tpu.memory_space<hbm>>
          %dma_wait3A_80 = arith.constant 0 : i32
          %dma_wait3A_81 = tpu.memref_slice %dma_wait3A_79[%sub3A_56, %dma_wait3A_80] : memref<80x128xi32, #tpu.memory_space<hbm>> -> memref<40x128xi32, #tpu.memory_space<hbm>>
          tpu.wait_dma2 semaphore(%run_scoped3A_58 : memref<!tpu.dma_semaphore, #tpu.memory_space<semaphore_mem>>) src(%dma_wait3A_81 : memref<40x128xi32, #tpu.memory_space<hbm>>) dst(%arg8 : memref<40x128xi32, #tpu.memory_space<vmem>>)
          tpu.yield
        }) : () -> ()
      } else {
      }
      %dma_start3A = arith.constant 0 : i32
      %dma_start3A_36 = arith.constant 0 : i32
      %dma_start3A_37 = tpu.memref_slice %arg7[%dma_start3A, %dma_start3A_36] : memref<40x128xi32, #tpu.memory_space<vmem>> -> memref<1x128xi32, #tpu.memory_space<vmem>>
      %dma_start3A_38 = tpu.memref_squeeze %dma_start3A_37 : memref<1x128xi32, #tpu.memory_space<vmem>> -> memref<128xi32, #tpu.memory_space<vmem>>
      %dma_start3A_39 = arith.constant 0 : i32
      %dma_start3A_40 = arith.constant 0 : i32
      %dma_start3A_41 = tpu.memref_slice %arg2[%dma_start3A_39, %dma_start3A_40] : memref<10000x128xf32, #tpu.memory_space<hbm>> -> memref<10000x128xf32, #tpu.memory_space<hbm>>
      tpu.enqueue_indirect_dma source(%dma_start3A_41 : memref<10000x128xf32, #tpu.memory_space<hbm>>) target(%arg9 : memref<128x128xf32, #tpu.memory_space<vmem>>) offsets(%dma_start3A_38 : memref<128xi32, #tpu.memory_space<vmem>>) semaphore(%arg12 : memref<!tpu.dma_semaphore, #tpu.memory_space<semaphore_mem>>)
      %dma_start3A_42 = arith.constant 1 : i32
      %dma_start3A_43 = arith.constant 0 : i32
      %dma_start3A_44 = tpu.memref_slice %arg7[%dma_start3A_42, %dma_start3A_43] : memref<40x128xi32, #tpu.memory_space<vmem>> -> memref<1x128xi32, #tpu.memory_space<vmem>>
      %dma_start3A_45 = tpu.memref_squeeze %dma_start3A_44 : memref<1x128xi32, #tpu.memory_space<vmem>> -> memref<128xi32, #tpu.memory_space<vmem>>
      %dma_start3A_46 = arith.constant 0 : i32
      %dma_start3A_47 = arith.constant 0 : i32
      %dma_start3A_48 = tpu.memref_slice %arg2[%dma_start3A_46, %dma_start3A_47] : memref<10000x128xf32, #tpu.memory_space<hbm>> -> memref<10000x128xf32, #tpu.memory_space<hbm>>
      tpu.enqueue_indirect_dma source(%dma_start3A_48 : memref<10000x128xf32, #tpu.memory_space<hbm>>) target(%arg10 : memref<128x128xf32, #tpu.memory_space<vmem>>) offsets(%dma_start3A_45 : memref<128xi32, #tpu.memory_space<vmem>>) semaphore(%arg13 : memref<!tpu.dma_semaphore, #tpu.memory_space<semaphore_mem>>)
      %scan3A_49 = arith.constant 0 : i32
      %scan3A_50 = arith.constant 20 : i32
      %scan3A_51 = arith.addi %scan3A_49, %scan3A_50 : i32
      %scan3A_52 = arith.constant 1 : i32
      scf.for %scan3A_54 = %scan3A_49 to %scan3A_51 step %scan3A_52  : i32 {
        %mul3A_55 = arith.constant 2 : i32
        %mul3A_56 = arith.muli %scan3A_54, %mul3A_55 : i32
        %add3A_57 = arith.constant 0 : i32
        %add3A_58 = arith.addi %add3A_57, %mul3A_56 : i32
        %dma_wait3A = arith.constant 0 : i32
        %dma_wait3A_59 = tpu.memref_slice %arg7[%add3A_58, %dma_wait3A] : memref<40x128xi32, #tpu.memory_space<vmem>> -> memref<1x128xi32, #tpu.memory_space<vmem>>
        %dma_wait3A_60 = tpu.memref_squeeze %dma_wait3A_59 : memref<1x128xi32, #tpu.memory_space<vmem>> -> memref<128xi32, #tpu.memory_space<vmem>>
        %dma_wait3A_61 = arith.constant 0 : i32
        %dma_wait3A_62 = arith.constant 0 : i32
        %dma_wait3A_63 = tpu.memref_slice %arg2[%dma_wait3A_61, %dma_wait3A_62] : memref<10000x128xf32, #tpu.memory_space<hbm>> -> memref<10000x128xf32, #tpu.memory_space<hbm>>
        tpu.wait_indirect_dma semaphore(%arg12 : memref<!tpu.dma_semaphore, #tpu.memory_space<semaphore_mem>>) src(%dma_wait3A_63 : memref<10000x128xf32, #tpu.memory_space<hbm>>) dst(%arg9 : memref<128x128xf32, #tpu.memory_space<vmem>>)
        "tpu.region"() ({
          %run_scoped3A = tpu.sem_alloc : memref<!tpu.dma_semaphore, #tpu.memory_space<semaphore_mem>>
          %dma_start3A_88 = arith.constant 0 : i32
          %dma_start3A_89 = tpu.memref_slice %arg8[%add3A_58, %dma_start3A_88] : memref<40x128xi32, #tpu.memory_space<vmem>> -> memref<1x128xi32, #tpu.memory_space<vmem>>
          %dma_start3A_90 = tpu.memref_squeeze %dma_start3A_89 : memref<1x128xi32, #tpu.memory_space<vmem>> -> memref<128xi32, #tpu.memory_space<vmem>>
          %dma_start3A_91 = arith.constant 0 : i32
          %dma_start3A_92 = arith.constant 0 : i32
          %dma_start3A_93 = tpu.memref_slice %arg11[%dma_start3A_91, %dma_start3A_92] : memref<10240x128xf32, #tpu.memory_space<vmem_shared>> -> memref<10240x128xf32, #tpu.memory_space<vmem_shared>>
          tpu.enqueue_indirect_dma source(%arg9 : memref<128x128xf32, #tpu.memory_space<vmem>>) target(%dma_start3A_93 : memref<10240x128xf32, #tpu.memory_space<vmem_shared>>) offsets(%dma_start3A_90 : memref<128xi32, #tpu.memory_space<vmem>>) semaphore(%run_scoped3A : memref<!tpu.dma_semaphore, #tpu.memory_space<semaphore_mem>>) {add = true}
          %dma_wait3A_94 = arith.constant 0 : i32
          %dma_wait3A_95 = tpu.memref_slice %arg8[%add3A_58, %dma_wait3A_94] : memref<40x128xi32, #tpu.memory_space<vmem>> -> memref<1x128xi32, #tpu.memory_space<vmem>>
          %dma_wait3A_96 = tpu.memref_squeeze %dma_wait3A_95 : memref<1x128xi32, #tpu.memory_space<vmem>> -> memref<128xi32, #tpu.memory_space<vmem>>
          %dma_wait3A_97 = arith.constant 0 : i32
          %dma_wait3A_98 = arith.constant 0 : i32
          %dma_wait3A_99 = tpu.memref_slice %arg11[%dma_wait3A_97, %dma_wait3A_98] : memref<10240x128xf32, #tpu.memory_space<vmem_shared>> -> memref<10240x128xf32, #tpu.memory_space<vmem_shared>>
          tpu.wait_indirect_dma semaphore(%run_scoped3A : memref<!tpu.dma_semaphore, #tpu.memory_space<semaphore_mem>>) src(%arg9 : memref<128x128xf32, #tpu.memory_space<vmem>>) dst(%dma_wait3A_99 : memref<10240x128xf32, #tpu.memory_space<vmem_shared>>)
          tpu.yield
        }) : () -> ()
        %add3A_64 = arith.constant 2 : i32
        %add3A_65 = arith.addi %add3A_58, %add3A_64 : i32
        %lt3A_66 = arith.constant 40 : i32
        %lt3A_67 = arith.cmpi slt, %add3A_65, %lt3A_66 : i32
        %convert_element_type3A_68 = arith.extui %lt3A_67 : i1 to i32
        %cond3A_69 = arith.constant 0 : i32
        %cond3A_70 = arith.cmpi ne, %convert_element_type3A_68, %cond3A_69 : i32
        scf.if %cond3A_70 {
          %add3A_88 = arith.constant 2 : i32
          %add3A_89 = arith.addi %add3A_58, %add3A_88 : i32
          %dma_start3A_90 = arith.constant 0 : i32
          %dma_start3A_91 = tpu.memref_slice %arg7[%add3A_89, %dma_start3A_90] : memref<40x128xi32, #tpu.memory_space<vmem>> -> memref<1x128xi32, #tpu.memory_space<vmem>>
          %dma_start3A_92 = tpu.memref_squeeze %dma_start3A_91 : memref<1x128xi32, #tpu.memory_space<vmem>> -> memref<128xi32, #tpu.memory_space<vmem>>
          %dma_start3A_93 = arith.constant 0 : i32
          %dma_start3A_94 = arith.constant 0 : i32
          %dma_start3A_95 = tpu.memref_slice %arg2[%dma_start3A_93, %dma_start3A_94] : memref<10000x128xf32, #tpu.memory_space<hbm>> -> memref<10000x128xf32, #tpu.memory_space<hbm>>
          tpu.enqueue_indirect_dma source(%dma_start3A_95 : memref<10000x128xf32, #tpu.memory_space<hbm>>) target(%arg9 : memref<128x128xf32, #tpu.memory_space<vmem>>) offsets(%dma_start3A_92 : memref<128xi32, #tpu.memory_space<vmem>>) semaphore(%arg12 : memref<!tpu.dma_semaphore, #tpu.memory_space<semaphore_mem>>)
        } else {
        }
        %add3A_71 = arith.constant 1 : i32
        %add3A_72 = arith.addi %add3A_58, %add3A_71 : i32
        %dma_wait3A_73 = arith.constant 0 : i32
        %dma_wait3A_74 = tpu.memref_slice %arg7[%add3A_72, %dma_wait3A_73] : memref<40x128xi32, #tpu.memory_space<vmem>> -> memref<1x128xi32, #tpu.memory_space<vmem>>
        %dma_wait3A_75 = tpu.memref_squeeze %dma_wait3A_74 : memref<1x128xi32, #tpu.memory_space<vmem>> -> memref<128xi32, #tpu.memory_space<vmem>>
        %dma_wait3A_76 = arith.constant 0 : i32
        %dma_wait3A_77 = arith.constant 0 : i32
        %dma_wait3A_78 = tpu.memref_slice %arg2[%dma_wait3A_76, %dma_wait3A_77] : memref<10000x128xf32, #tpu.memory_space<hbm>> -> memref<10000x128xf32, #tpu.memory_space<hbm>>
        tpu.wait_indirect_dma semaphore(%arg13 : memref<!tpu.dma_semaphore, #tpu.memory_space<semaphore_mem>>) src(%dma_wait3A_78 : memref<10000x128xf32, #tpu.memory_space<hbm>>) dst(%arg10 : memref<128x128xf32, #tpu.memory_space<vmem>>)
        %add3A_79 = arith.constant 1 : i32
        %add3A_80 = arith.addi %add3A_58, %add3A_79 : i32
        "tpu.region"() ({
          %run_scoped3A = tpu.sem_alloc : memref<!tpu.dma_semaphore, #tpu.memory_space<semaphore_mem>>
          %dma_start3A_88 = arith.constant 0 : i32
          %dma_start3A_89 = tpu.memref_slice %arg8[%add3A_80, %dma_start3A_88] : memref<40x128xi32, #tpu.memory_space<vmem>> -> memref<1x128xi32, #tpu.memory_space<vmem>>
          %dma_start3A_90 = tpu.memref_squeeze %dma_start3A_89 : memref<1x128xi32, #tpu.memory_space<vmem>> -> memref<128xi32, #tpu.memory_space<vmem>>
          %dma_start3A_91 = arith.constant 0 : i32
          %dma_start3A_92 = arith.constant 0 : i32
          %dma_start3A_93 = tpu.memref_slice %arg11[%dma_start3A_91, %dma_start3A_92] : memref<10240x128xf32, #tpu.memory_space<vmem_shared>> -> memref<10240x128xf32, #tpu.memory_space<vmem_shared>>
          tpu.enqueue_indirect_dma source(%arg10 : memref<128x128xf32, #tpu.memory_space<vmem>>) target(%dma_start3A_93 : memref<10240x128xf32, #tpu.memory_space<vmem_shared>>) offsets(%dma_start3A_90 : memref<128xi32, #tpu.memory_space<vmem>>) semaphore(%run_scoped3A : memref<!tpu.dma_semaphore, #tpu.memory_space<semaphore_mem>>) {add = true}
          %dma_wait3A_94 = arith.constant 0 : i32
          %dma_wait3A_95 = tpu.memref_slice %arg8[%add3A_80, %dma_wait3A_94] : memref<40x128xi32, #tpu.memory_space<vmem>> -> memref<1x128xi32, #tpu.memory_space<vmem>>
          %dma_wait3A_96 = tpu.memref_squeeze %dma_wait3A_95 : memref<1x128xi32, #tpu.memory_space<vmem>> -> memref<128xi32, #tpu.memory_space<vmem>>
          %dma_wait3A_97 = arith.constant 0 : i32
          %dma_wait3A_98 = arith.constant 0 : i32
          %dma_wait3A_99 = tpu.memref_slice %arg11[%dma_wait3A_97, %dma_wait3A_98] : memref<10240x128xf32, #tpu.memory_space<vmem_shared>> -> memref<10240x128xf32, #tpu.memory_space<vmem_shared>>
          tpu.wait_indirect_dma semaphore(%run_scoped3A : memref<!tpu.dma_semaphore, #tpu.memory_space<semaphore_mem>>) src(%arg10 : memref<128x128xf32, #tpu.memory_space<vmem>>) dst(%dma_wait3A_99 : memref<10240x128xf32, #tpu.memory_space<vmem_shared>>)
          tpu.yield
        }) : () -> ()
        %add3A_81 = arith.constant 3 : i32
        %add3A_82 = arith.addi %add3A_58, %add3A_81 : i32
        %lt3A_83 = arith.constant 40 : i32
        %lt3A_84 = arith.cmpi slt, %add3A_82, %lt3A_83 : i32
        %convert_element_type3A_85 = arith.extui %lt3A_84 : i1 to i32
        %cond3A_86 = arith.constant 0 : i32
        %cond3A_87 = arith.cmpi ne, %convert_element_type3A_85, %cond3A_86 : i32
        scf.if %cond3A_87 {
          %add3A_88 = arith.constant 3 : i32
          %add3A_89 = arith.addi %add3A_58, %add3A_88 : i32
          %dma_start3A_90 = arith.constant 0 : i32
          %dma_start3A_91 = tpu.memref_slice %arg7[%add3A_89, %dma_start3A_90] : memref<40x128xi32, #tpu.memory_space<vmem>> -> memref<1x128xi32, #tpu.memory_space<vmem>>
          %dma_start3A_92 = tpu.memref_squeeze %dma_start3A_91 : memref<1x128xi32, #tpu.memory_space<vmem>> -> memref<128xi32, #tpu.memory_space<vmem>>
          %dma_start3A_93 = arith.constant 0 : i32
          %dma_start3A_94 = arith.constant 0 : i32
          %dma_start3A_95 = tpu.memref_slice %arg2[%dma_start3A_93, %dma_start3A_94] : memref<10000x128xf32, #tpu.memory_space<hbm>> -> memref<10000x128xf32, #tpu.memory_space<hbm>>
          tpu.enqueue_indirect_dma source(%dma_start3A_95 : memref<10000x128xf32, #tpu.memory_space<hbm>>) target(%arg10 : memref<128x128xf32, #tpu.memory_space<vmem>>) offsets(%dma_start3A_92 : memref<128xi32, #tpu.memory_space<vmem>>) semaphore(%arg13 : memref<!tpu.dma_semaphore, #tpu.memory_space<semaphore_mem>>)
        } else {
        }
      }
      %scan3A_53 = arith.constant 20 : i32
    }
    %scan3A_16 = arith.constant 2 : i32
    %barrier3A_17 = arith.constant 0 : index
    tpu.barrier barrier_id(%barrier3A_17)
    %mul3A_18 = arith.constant 640 : i32
    %mul3A_19 = arith.muli %arg1, %mul3A_18 : i32
    %mul3A_20 = arith.constant 640 : i32
    %mul3A_21 = arith.muli %arg1, %mul3A_20 : i32
    "tpu.region"() ({
      %run_scoped3A = tpu.sem_alloc : memref<!tpu.dma_semaphore, #tpu.memory_space<semaphore_mem>>
      %dma_start3A = arith.constant 0 : i32
      %dma_start3A_22 = arith.constant 0 : i32
      %dma_start3A_23 = tpu.memref_slice %arg6[%arg0, %dma_start3A, %dma_start3A_22] : memref<2x10240x128xf32, #tpu.memory_space<hbm>> -> memref<1x10240x128xf32, #tpu.memory_space<hbm>>
      %dma_start3A_24 = tpu.memref_squeeze %dma_start3A_23 : memref<1x10240x128xf32, #tpu.memory_space<hbm>> -> memref<10240x128xf32, #tpu.memory_space<hbm>>
      %dma_start3A_25 = arith.constant 0 : i32
      %dma_start3A_26 = tpu.memref_slice %dma_start3A_24[%mul3A_21, %dma_start3A_25] : memref<10240x128xf32, #tpu.memory_space<hbm>> -> memref<640x128xf32, #tpu.memory_space<hbm>>
      %dma_start3A_27 = arith.constant 0 : i32
      %dma_start3A_28 = tpu.memref_slice %arg11[%mul3A_19, %dma_start3A_27] : memref<10240x128xf32, #tpu.memory_space<vmem_shared>> -> memref<640x128xf32, #tpu.memory_space<vmem_shared>>
      tpu.enqueue_dma source(%dma_start3A_28 : memref<640x128xf32, #tpu.memory_space<vmem_shared>>) target(%dma_start3A_26 : memref<640x128xf32, #tpu.memory_space<hbm>>) target_semaphore(%run_scoped3A : memref<!tpu.dma_semaphore, #tpu.memory_space<semaphore_mem>>)
      %dma_wait3A = arith.constant 0 : i32
      %dma_wait3A_29 = arith.constant 0 : i32
      %dma_wait3A_30 = tpu.memref_slice %arg6[%arg0, %dma_wait3A, %dma_wait3A_29] : memref<2x10240x128xf32, #tpu.memory_space<hbm>> -> memref<1x10240x128xf32, #tpu.memory_space<hbm>>
      %dma_wait3A_31 = tpu.memref_squeeze %dma_wait3A_30 : memref<1x10240x128xf32, #tpu.memory_space<hbm>> -> memref<10240x128xf32, #tpu.memory_space<hbm>>
      %dma_wait3A_32 = arith.constant 0 : i32
      %dma_wait3A_33 = tpu.memref_slice %dma_wait3A_31[%mul3A_21, %dma_wait3A_32] : memref<10240x128xf32, #tpu.memory_space<hbm>> -> memref<640x128xf32, #tpu.memory_space<hbm>>
      %dma_wait3A_34 = arith.constant 0 : i32
      %dma_wait3A_35 = tpu.memref_slice %arg11[%mul3A_19, %dma_wait3A_34] : memref<10240x128xf32, #tpu.memory_space<vmem_shared>> -> memref<640x128xf32, #tpu.memory_space<vmem_shared>>
      tpu.wait_dma2 semaphore(%run_scoped3A : memref<!tpu.dma_semaphore, #tpu.memory_space<semaphore_mem>>) src(%dma_wait3A_35 : memref<640x128xf32, #tpu.memory_space<vmem_shared>>) dst(%dma_wait3A_33 : memref<640x128xf32, #tpu.memory_space<hbm>>)
      tpu.yield
    }) : () -> ()
    return
  }
}

#map = affine_map<(d0, d1) -> (0, 0)>
#map1 = affine_map<(d0, d1) -> (0, 0, 0)>
module attributes {stable_mosaic.version = 14 : i64} {
  func.func @agg_kernel(%arg0: i32, %arg1: i32, %arg2: memref<10000x128xf32, #tpu.memory_space<hbm>>, %arg3: memref<2x2500x128xi32, #tpu.memory_space<hbm>>, %arg4: memref<2x80x128xi32, #tpu.memory_space<hbm>>, %arg5: memref<128x128xf32, #tpu.memory_space<hbm>>, %arg6: memref<2x10240x128xf32, #tpu.memory_space<hbm>>, %arg7: memref<40x128xi32, #tpu.memory_space<vmem>>, %arg8: memref<40x128xi32, #tpu.memory_space<vmem>>, %arg9: memref<128x128xf32, #tpu.memory_space<vmem>>, %arg10: memref<128x128xf32, #tpu.memory_space<vmem>>, %arg11: memref<10240x128xf32, #tpu.memory_space<vmem_shared>>, %arg12: memref<!tpu.dma_semaphore, #tpu.memory_space<semaphore_mem>>, %arg13: memref<!tpu.dma_semaphore, #tpu.memory_space<semaphore_mem>>) attributes {dimension_semantics = [#tpu.dimension_semantics<core_parallel>, #tpu.dimension_semantics<subcore_parallel>], iteration_bounds = array<i64: 2, 16>, scalar_prefetch = 0 : i64, scratch_operands = 7 : i64, tpu.core_type = #tpu.core_type<sc_vector_subcore>, window_params = [{transform_indices = #map}, {transform_indices = #map1}, {transform_indices = #map1}, {transform_indices = #map}, {transform_indices = #map1}]} {
    %mul3A = arith.constant 16 : i32
    %mul3A_0 = arith.muli %arg0, %mul3A : i32
    %add3A = arith.addi %mul3A_0, %arg1 : i32
    %mul3A_1 = arith.constant 80 : i32
    %mul3A_2 = arith.muli %add3A, %mul3A_1 : i32
    "tpu.region"() ({
      %run_scoped3A = tpu.sem_alloc : memref<!tpu.dma_semaphore, #tpu.memory_space<semaphore_mem>>
      tpu.enqueue_dma source(%arg5 : memref<128x128xf32, #tpu.memory_space<hbm>>) target(%arg9 : memref<128x128xf32, #tpu.memory_space<vmem>>) target_semaphore(%run_scoped3A : memref<!tpu.dma_semaphore, #tpu.memory_space<semaphore_mem>>)
      tpu.wait_dma2 semaphore(%run_scoped3A : memref<!tpu.dma_semaphore, #tpu.memory_space<semaphore_mem>>) src(%arg5 : memref<128x128xf32, #tpu.memory_space<hbm>>) dst(%arg9 : memref<128x128xf32, #tpu.memory_space<vmem>>)
      tpu.yield
    }) : () -> ()
    %scan3A = arith.constant 0 : i32
    %scan3A_3 = arith.constant 5 : i32
    %scan3A_4 = arith.addi %scan3A, %scan3A_3 : i32
    %scan3A_5 = arith.constant 1 : i32
    scf.for %scan3A_22 = %scan3A to %scan3A_4 step %scan3A_5  : i32 {
      %mul3A_23 = arith.constant 1 : i32
      %mul3A_24 = arith.muli %scan3A_22, %mul3A_23 : i32
      %add3A_25 = arith.constant 0 : i32
      %add3A_26 = arith.addi %add3A_25, %mul3A_24 : i32
      %mul3A_27 = arith.constant 640 : i32
      %mul3A_28 = arith.muli %arg1, %mul3A_27 : i32
      %mul3A_29 = arith.constant 128 : i32
      %mul3A_30 = arith.muli %add3A_26, %mul3A_29 : i32
      %add3A_31 = arith.addi %mul3A_28, %mul3A_30 : i32
      %dma_start3A = arith.constant 0 : i32
      %dma_start3A_32 = tpu.memref_slice %arg11[%add3A_31, %dma_start3A] : memref<10240x128xf32, #tpu.memory_space<vmem_shared>> -> memref<128x128xf32, #tpu.memory_space<vmem_shared>>
      %dma_start3A_33 = arith.constant 0 : i32
      %dma_start3A_34 = tpu.memref_slice %arg11[%add3A_31, %dma_start3A_33] : memref<10240x128xf32, #tpu.memory_space<vmem_shared>> -> memref<128x128xf32, #tpu.memory_space<vmem_shared>>
      tpu.enqueue_dma source(%arg9 : memref<128x128xf32, #tpu.memory_space<vmem>>) target(%dma_start3A_34 : memref<128x128xf32, #tpu.memory_space<vmem_shared>>) target_semaphore(%arg12 : memref<!tpu.dma_semaphore, #tpu.memory_space<semaphore_mem>>)
    }
    %scan3A_6 = arith.constant 5 : i32
    %scan3A_7 = arith.constant 0 : i32
    %scan3A_8 = arith.constant 5 : i32
    %scan3A_9 = arith.addi %scan3A_7, %scan3A_8 : i32
    %scan3A_10 = arith.constant 1 : i32
    scf.for %scan3A_22 = %scan3A_7 to %scan3A_9 step %scan3A_10  : i32 {
      %mul3A_23 = arith.constant 1 : i32
      %mul3A_24 = arith.muli %scan3A_22, %mul3A_23 : i32
      %add3A_25 = arith.constant 0 : i32
      %add3A_26 = arith.addi %add3A_25, %mul3A_24 : i32
      %mul3A_27 = arith.constant 640 : i32
      %mul3A_28 = arith.muli %arg1, %mul3A_27 : i32
      %mul3A_29 = arith.constant 128 : i32
      %mul3A_30 = arith.muli %add3A_26, %mul3A_29 : i32
      %add3A_31 = arith.addi %mul3A_28, %mul3A_30 : i32
      %dma_wait3A = arith.constant 0 : i32
      %dma_wait3A_32 = tpu.memref_slice %arg11[%add3A_31, %dma_wait3A] : memref<10240x128xf32, #tpu.memory_space<vmem_shared>> -> memref<128x128xf32, #tpu.memory_space<vmem_shared>>
      %dma_wait3A_33 = arith.constant 0 : i32
      %dma_wait3A_34 = tpu.memref_slice %arg11[%add3A_31, %dma_wait3A_33] : memref<10240x128xf32, #tpu.memory_space<vmem_shared>> -> memref<128x128xf32, #tpu.memory_space<vmem_shared>>
      tpu.wait_dma2 semaphore(%arg12 : memref<!tpu.dma_semaphore, #tpu.memory_space<semaphore_mem>>) src(%arg9 : memref<128x128xf32, #tpu.memory_space<vmem>>) dst(%dma_wait3A_34 : memref<128x128xf32, #tpu.memory_space<vmem_shared>>)
    }
    %scan3A_11 = arith.constant 5 : i32
    %barrier3A = arith.constant 0 : index
    tpu.barrier barrier_id(%barrier3A)
    %scan3A_12 = arith.constant 0 : i32
    %scan3A_13 = arith.constant 2 : i32
    %scan3A_14 = arith.addi %scan3A_12, %scan3A_13 : i32
    %scan3A_15 = arith.constant 1 : i32
    scf.for %scan3A_22 = %scan3A_12 to %scan3A_14 step %scan3A_15  : i32 {
      %mul3A_23 = arith.constant 1 : i32
      %mul3A_24 = arith.muli %scan3A_22, %mul3A_23 : i32
      %add3A_25 = arith.constant 0 : i32
      %add3A_26 = arith.addi %add3A_25, %mul3A_24 : i32
      %mul3A_27 = arith.constant 40 : i32
      %mul3A_28 = arith.muli %add3A_26, %mul3A_27 : i32
      %add3A_29 = arith.addi %mul3A_2, %mul3A_28 : i32
      %lt3A = arith.constant 2480 : i32
      %lt3A_30 = arith.cmpi slt, %add3A_29, %lt3A : i32
      %convert_element_type3A = arith.extui %lt3A_30 : i1 to i32
      %cond3A = arith.constant 0 : i32
      %cond3A_31 = arith.cmpi ne, %convert_element_type3A, %cond3A : i32
      scf.if %cond3A_31 {
        %run_scoped3A = arith.constant 0 : i32
        "tpu.region"() ({
          %run_scoped3A_55 = tpu.sem_alloc : memref<!tpu.dma_semaphore, #tpu.memory_space<semaphore_mem>>
          %dma_start3A_56 = arith.constant 0 : i32
          %dma_start3A_57 = arith.constant 0 : i32
          %dma_start3A_58 = tpu.memref_slice %arg3[%run_scoped3A, %dma_start3A_56, %dma_start3A_57] : memref<2x2500x128xi32, #tpu.memory_space<hbm>> -> memref<1x2500x128xi32, #tpu.memory_space<hbm>>
          %dma_start3A_59 = tpu.memref_squeeze %dma_start3A_58 : memref<1x2500x128xi32, #tpu.memory_space<hbm>> -> memref<2500x128xi32, #tpu.memory_space<hbm>>
          %dma_start3A_60 = arith.constant 0 : i32
          %dma_start3A_61 = tpu.memref_slice %dma_start3A_59[%add3A_29, %dma_start3A_60] : memref<2500x128xi32, #tpu.memory_space<hbm>> -> memref<40x128xi32, #tpu.memory_space<hbm>>
          %dma_start3A_62 = arith.constant 0 : i32
          %dma_start3A_63 = arith.constant 0 : i32
          %dma_start3A_64 = tpu.memref_slice %arg3[%run_scoped3A, %dma_start3A_62, %dma_start3A_63] : memref<2x2500x128xi32, #tpu.memory_space<hbm>> -> memref<1x2500x128xi32, #tpu.memory_space<hbm>>
          %dma_start3A_65 = tpu.memref_squeeze %dma_start3A_64 : memref<1x2500x128xi32, #tpu.memory_space<hbm>> -> memref<2500x128xi32, #tpu.memory_space<hbm>>
          %dma_start3A_66 = arith.constant 0 : i32
          %dma_start3A_67 = tpu.memref_slice %dma_start3A_65[%add3A_29, %dma_start3A_66] : memref<2500x128xi32, #tpu.memory_space<hbm>> -> memref<40x128xi32, #tpu.memory_space<hbm>>
          tpu.enqueue_dma source(%dma_start3A_67 : memref<40x128xi32, #tpu.memory_space<hbm>>) target(%arg7 : memref<40x128xi32, #tpu.memory_space<vmem>>) target_semaphore(%run_scoped3A_55 : memref<!tpu.dma_semaphore, #tpu.memory_space<semaphore_mem>>)
          %dma_wait3A = arith.constant 0 : i32
          %dma_wait3A_68 = arith.constant 0 : i32
          %dma_wait3A_69 = tpu.memref_slice %arg3[%run_scoped3A, %dma_wait3A, %dma_wait3A_68] : memref<2x2500x128xi32, #tpu.memory_space<hbm>> -> memref<1x2500x128xi32, #tpu.memory_space<hbm>>
          %dma_wait3A_70 = tpu.memref_squeeze %dma_wait3A_69 : memref<1x2500x128xi32, #tpu.memory_space<hbm>> -> memref<2500x128xi32, #tpu.memory_space<hbm>>
          %dma_wait3A_71 = arith.constant 0 : i32
          %dma_wait3A_72 = tpu.memref_slice %dma_wait3A_70[%add3A_29, %dma_wait3A_71] : memref<2500x128xi32, #tpu.memory_space<hbm>> -> memref<40x128xi32, #tpu.memory_space<hbm>>
          %dma_wait3A_73 = arith.constant 0 : i32
          %dma_wait3A_74 = arith.constant 0 : i32
          %dma_wait3A_75 = tpu.memref_slice %arg3[%run_scoped3A, %dma_wait3A_73, %dma_wait3A_74] : memref<2x2500x128xi32, #tpu.memory_space<hbm>> -> memref<1x2500x128xi32, #tpu.memory_space<hbm>>
          %dma_wait3A_76 = tpu.memref_squeeze %dma_wait3A_75 : memref<1x2500x128xi32, #tpu.memory_space<hbm>> -> memref<2500x128xi32, #tpu.memory_space<hbm>>
          %dma_wait3A_77 = arith.constant 0 : i32
          %dma_wait3A_78 = tpu.memref_slice %dma_wait3A_76[%add3A_29, %dma_wait3A_77] : memref<2500x128xi32, #tpu.memory_space<hbm>> -> memref<40x128xi32, #tpu.memory_space<hbm>>
          tpu.wait_dma2 semaphore(%run_scoped3A_55 : memref<!tpu.dma_semaphore, #tpu.memory_space<semaphore_mem>>) src(%dma_wait3A_78 : memref<40x128xi32, #tpu.memory_space<hbm>>) dst(%arg7 : memref<40x128xi32, #tpu.memory_space<vmem>>)
          tpu.yield
        }) : () -> ()
        %run_scoped3A_54 = arith.constant 1 : i32
        "tpu.region"() ({
          %run_scoped3A_55 = tpu.sem_alloc : memref<!tpu.dma_semaphore, #tpu.memory_space<semaphore_mem>>
          %dma_start3A_56 = arith.constant 0 : i32
          %dma_start3A_57 = arith.constant 0 : i32
          %dma_start3A_58 = tpu.memref_slice %arg3[%run_scoped3A_54, %dma_start3A_56, %dma_start3A_57] : memref<2x2500x128xi32, #tpu.memory_space<hbm>> -> memref<1x2500x128xi32, #tpu.memory_space<hbm>>
          %dma_start3A_59 = tpu.memref_squeeze %dma_start3A_58 : memref<1x2500x128xi32, #tpu.memory_space<hbm>> -> memref<2500x128xi32, #tpu.memory_space<hbm>>
          %dma_start3A_60 = arith.constant 0 : i32
          %dma_start3A_61 = tpu.memref_slice %dma_start3A_59[%add3A_29, %dma_start3A_60] : memref<2500x128xi32, #tpu.memory_space<hbm>> -> memref<40x128xi32, #tpu.memory_space<hbm>>
          %dma_start3A_62 = arith.constant 0 : i32
          %dma_start3A_63 = arith.constant 0 : i32
          %dma_start3A_64 = tpu.memref_slice %arg3[%run_scoped3A_54, %dma_start3A_62, %dma_start3A_63] : memref<2x2500x128xi32, #tpu.memory_space<hbm>> -> memref<1x2500x128xi32, #tpu.memory_space<hbm>>
          %dma_start3A_65 = tpu.memref_squeeze %dma_start3A_64 : memref<1x2500x128xi32, #tpu.memory_space<hbm>> -> memref<2500x128xi32, #tpu.memory_space<hbm>>
          %dma_start3A_66 = arith.constant 0 : i32
          %dma_start3A_67 = tpu.memref_slice %dma_start3A_65[%add3A_29, %dma_start3A_66] : memref<2500x128xi32, #tpu.memory_space<hbm>> -> memref<40x128xi32, #tpu.memory_space<hbm>>
          tpu.enqueue_dma source(%dma_start3A_67 : memref<40x128xi32, #tpu.memory_space<hbm>>) target(%arg8 : memref<40x128xi32, #tpu.memory_space<vmem>>) target_semaphore(%run_scoped3A_55 : memref<!tpu.dma_semaphore, #tpu.memory_space<semaphore_mem>>)
          %dma_wait3A = arith.constant 0 : i32
          %dma_wait3A_68 = arith.constant 0 : i32
          %dma_wait3A_69 = tpu.memref_slice %arg3[%run_scoped3A_54, %dma_wait3A, %dma_wait3A_68] : memref<2x2500x128xi32, #tpu.memory_space<hbm>> -> memref<1x2500x128xi32, #tpu.memory_space<hbm>>
          %dma_wait3A_70 = tpu.memref_squeeze %dma_wait3A_69 : memref<1x2500x128xi32, #tpu.memory_space<hbm>> -> memref<2500x128xi32, #tpu.memory_space<hbm>>
          %dma_wait3A_71 = arith.constant 0 : i32
          %dma_wait3A_72 = tpu.memref_slice %dma_wait3A_70[%add3A_29, %dma_wait3A_71] : memref<2500x128xi32, #tpu.memory_space<hbm>> -> memref<40x128xi32, #tpu.memory_space<hbm>>
          %dma_wait3A_73 = arith.constant 0 : i32
          %dma_wait3A_74 = arith.constant 0 : i32
          %dma_wait3A_75 = tpu.memref_slice %arg3[%run_scoped3A_54, %dma_wait3A_73, %dma_wait3A_74] : memref<2x2500x128xi32, #tpu.memory_space<hbm>> -> memref<1x2500x128xi32, #tpu.memory_space<hbm>>
          %dma_wait3A_76 = tpu.memref_squeeze %dma_wait3A_75 : memref<1x2500x128xi32, #tpu.memory_space<hbm>> -> memref<2500x128xi32, #tpu.memory_space<hbm>>
          %dma_wait3A_77 = arith.constant 0 : i32
          %dma_wait3A_78 = tpu.memref_slice %dma_wait3A_76[%add3A_29, %dma_wait3A_77] : memref<2500x128xi32, #tpu.memory_space<hbm>> -> memref<40x128xi32, #tpu.memory_space<hbm>>
          tpu.wait_dma2 semaphore(%run_scoped3A_55 : memref<!tpu.dma_semaphore, #tpu.memory_space<semaphore_mem>>) src(%dma_wait3A_78 : memref<40x128xi32, #tpu.memory_space<hbm>>) dst(%arg8 : memref<40x128xi32, #tpu.memory_space<vmem>>)
          tpu.yield
        }) : () -> ()
      } else {
      }
      %ge3A = arith.constant 2480 : i32
      %ge3A_32 = arith.cmpi sge, %add3A_29, %ge3A : i32
      %convert_element_type3A_33 = arith.extui %ge3A_32 : i1 to i32
      %cond3A_34 = arith.constant 0 : i32
      %cond3A_35 = arith.cmpi ne, %convert_element_type3A_33, %cond3A_34 : i32
      scf.if %cond3A_35 {
        %sub3A = arith.constant 2480 : i32
        %sub3A_54 = arith.subi %add3A_29, %sub3A : i32
        %run_scoped3A = arith.constant 0 : i32
        "tpu.region"() ({
          %run_scoped3A_58 = tpu.sem_alloc : memref<!tpu.dma_semaphore, #tpu.memory_space<semaphore_mem>>
          %dma_start3A_59 = arith.constant 0 : i32
          %dma_start3A_60 = arith.constant 0 : i32
          %dma_start3A_61 = tpu.memref_slice %arg4[%run_scoped3A, %dma_start3A_59, %dma_start3A_60] : memref<2x80x128xi32, #tpu.memory_space<hbm>> -> memref<1x80x128xi32, #tpu.memory_space<hbm>>
          %dma_start3A_62 = tpu.memref_squeeze %dma_start3A_61 : memref<1x80x128xi32, #tpu.memory_space<hbm>> -> memref<80x128xi32, #tpu.memory_space<hbm>>
          %dma_start3A_63 = arith.constant 0 : i32
          %dma_start3A_64 = tpu.memref_slice %dma_start3A_62[%sub3A_54, %dma_start3A_63] : memref<80x128xi32, #tpu.memory_space<hbm>> -> memref<40x128xi32, #tpu.memory_space<hbm>>
          %dma_start3A_65 = arith.constant 0 : i32
          %dma_start3A_66 = arith.constant 0 : i32
          %dma_start3A_67 = tpu.memref_slice %arg4[%run_scoped3A, %dma_start3A_65, %dma_start3A_66] : memref<2x80x128xi32, #tpu.memory_space<hbm>> -> memref<1x80x128xi32, #tpu.memory_space<hbm>>
          %dma_start3A_68 = tpu.memref_squeeze %dma_start3A_67 : memref<1x80x128xi32, #tpu.memory_space<hbm>> -> memref<80x128xi32, #tpu.memory_space<hbm>>
          %dma_start3A_69 = arith.constant 0 : i32
          %dma_start3A_70 = tpu.memref_slice %dma_start3A_68[%sub3A_54, %dma_start3A_69] : memref<80x128xi32, #tpu.memory_space<hbm>> -> memref<40x128xi32, #tpu.memory_space<hbm>>
          tpu.enqueue_dma source(%dma_start3A_70 : memref<40x128xi32, #tpu.memory_space<hbm>>) target(%arg7 : memref<40x128xi32, #tpu.memory_space<vmem>>) target_semaphore(%run_scoped3A_58 : memref<!tpu.dma_semaphore, #tpu.memory_space<semaphore_mem>>)
          %dma_wait3A = arith.constant 0 : i32
          %dma_wait3A_71 = arith.constant 0 : i32
          %dma_wait3A_72 = tpu.memref_slice %arg4[%run_scoped3A, %dma_wait3A, %dma_wait3A_71] : memref<2x80x128xi32, #tpu.memory_space<hbm>> -> memref<1x80x128xi32, #tpu.memory_space<hbm>>
          %dma_wait3A_73 = tpu.memref_squeeze %dma_wait3A_72 : memref<1x80x128xi32, #tpu.memory_space<hbm>> -> memref<80x128xi32, #tpu.memory_space<hbm>>
          %dma_wait3A_74 = arith.constant 0 : i32
          %dma_wait3A_75 = tpu.memref_slice %dma_wait3A_73[%sub3A_54, %dma_wait3A_74] : memref<80x128xi32, #tpu.memory_space<hbm>> -> memref<40x128xi32, #tpu.memory_space<hbm>>
          %dma_wait3A_76 = arith.constant 0 : i32
          %dma_wait3A_77 = arith.constant 0 : i32
          %dma_wait3A_78 = tpu.memref_slice %arg4[%run_scoped3A, %dma_wait3A_76, %dma_wait3A_77] : memref<2x80x128xi32, #tpu.memory_space<hbm>> -> memref<1x80x128xi32, #tpu.memory_space<hbm>>
          %dma_wait3A_79 = tpu.memref_squeeze %dma_wait3A_78 : memref<1x80x128xi32, #tpu.memory_space<hbm>> -> memref<80x128xi32, #tpu.memory_space<hbm>>
          %dma_wait3A_80 = arith.constant 0 : i32
          %dma_wait3A_81 = tpu.memref_slice %dma_wait3A_79[%sub3A_54, %dma_wait3A_80] : memref<80x128xi32, #tpu.memory_space<hbm>> -> memref<40x128xi32, #tpu.memory_space<hbm>>
          tpu.wait_dma2 semaphore(%run_scoped3A_58 : memref<!tpu.dma_semaphore, #tpu.memory_space<semaphore_mem>>) src(%dma_wait3A_81 : memref<40x128xi32, #tpu.memory_space<hbm>>) dst(%arg7 : memref<40x128xi32, #tpu.memory_space<vmem>>)
          tpu.yield
        }) : () -> ()
        %sub3A_55 = arith.constant 2480 : i32
        %sub3A_56 = arith.subi %add3A_29, %sub3A_55 : i32
        %run_scoped3A_57 = arith.constant 1 : i32
        "tpu.region"() ({
          %run_scoped3A_58 = tpu.sem_alloc : memref<!tpu.dma_semaphore, #tpu.memory_space<semaphore_mem>>
          %dma_start3A_59 = arith.constant 0 : i32
          %dma_start3A_60 = arith.constant 0 : i32
          %dma_start3A_61 = tpu.memref_slice %arg4[%run_scoped3A_57, %dma_start3A_59, %dma_start3A_60] : memref<2x80x128xi32, #tpu.memory_space<hbm>> -> memref<1x80x128xi32, #tpu.memory_space<hbm>>
          %dma_start3A_62 = tpu.memref_squeeze %dma_start3A_61 : memref<1x80x128xi32, #tpu.memory_space<hbm>> -> memref<80x128xi32, #tpu.memory_space<hbm>>
          %dma_start3A_63 = arith.constant 0 : i32
          %dma_start3A_64 = tpu.memref_slice %dma_start3A_62[%sub3A_56, %dma_start3A_63] : memref<80x128xi32, #tpu.memory_space<hbm>> -> memref<40x128xi32, #tpu.memory_space<hbm>>
          %dma_start3A_65 = arith.constant 0 : i32
          %dma_start3A_66 = arith.constant 0 : i32
          %dma_start3A_67 = tpu.memref_slice %arg4[%run_scoped3A_57, %dma_start3A_65, %dma_start3A_66] : memref<2x80x128xi32, #tpu.memory_space<hbm>> -> memref<1x80x128xi32, #tpu.memory_space<hbm>>
          %dma_start3A_68 = tpu.memref_squeeze %dma_start3A_67 : memref<1x80x128xi32, #tpu.memory_space<hbm>> -> memref<80x128xi32, #tpu.memory_space<hbm>>
          %dma_start3A_69 = arith.constant 0 : i32
          %dma_start3A_70 = tpu.memref_slice %dma_start3A_68[%sub3A_56, %dma_start3A_69] : memref<80x128xi32, #tpu.memory_space<hbm>> -> memref<40x128xi32, #tpu.memory_space<hbm>>
          tpu.enqueue_dma source(%dma_start3A_70 : memref<40x128xi32, #tpu.memory_space<hbm>>) target(%arg8 : memref<40x128xi32, #tpu.memory_space<vmem>>) target_semaphore(%run_scoped3A_58 : memref<!tpu.dma_semaphore, #tpu.memory_space<semaphore_mem>>)
          %dma_wait3A = arith.constant 0 : i32
          %dma_wait3A_71 = arith.constant 0 : i32
          %dma_wait3A_72 = tpu.memref_slice %arg4[%run_scoped3A_57, %dma_wait3A, %dma_wait3A_71] : memref<2x80x128xi32, #tpu.memory_space<hbm>> -> memref<1x80x128xi32, #tpu.memory_space<hbm>>
          %dma_wait3A_73 = tpu.memref_squeeze %dma_wait3A_72 : memref<1x80x128xi32, #tpu.memory_space<hbm>> -> memref<80x128xi32, #tpu.memory_space<hbm>>
          %dma_wait3A_74 = arith.constant 0 : i32
          %dma_wait3A_75 = tpu.memref_slice %dma_wait3A_73[%sub3A_56, %dma_wait3A_74] : memref<80x128xi32, #tpu.memory_space<hbm>> -> memref<40x128xi32, #tpu.memory_space<hbm>>
          %dma_wait3A_76 = arith.constant 0 : i32
          %dma_wait3A_77 = arith.constant 0 : i32
          %dma_wait3A_78 = tpu.memref_slice %arg4[%run_scoped3A_57, %dma_wait3A_76, %dma_wait3A_77] : memref<2x80x128xi32, #tpu.memory_space<hbm>> -> memref<1x80x128xi32, #tpu.memory_space<hbm>>
          %dma_wait3A_79 = tpu.memref_squeeze %dma_wait3A_78 : memref<1x80x128xi32, #tpu.memory_space<hbm>> -> memref<80x128xi32, #tpu.memory_space<hbm>>
          %dma_wait3A_80 = arith.constant 0 : i32
          %dma_wait3A_81 = tpu.memref_slice %dma_wait3A_79[%sub3A_56, %dma_wait3A_80] : memref<80x128xi32, #tpu.memory_space<hbm>> -> memref<40x128xi32, #tpu.memory_space<hbm>>
          tpu.wait_dma2 semaphore(%run_scoped3A_58 : memref<!tpu.dma_semaphore, #tpu.memory_space<semaphore_mem>>) src(%dma_wait3A_81 : memref<40x128xi32, #tpu.memory_space<hbm>>) dst(%arg8 : memref<40x128xi32, #tpu.memory_space<vmem>>)
          tpu.yield
        }) : () -> ()
      } else {
      }
      %dma_start3A = arith.constant 0 : i32
      %dma_start3A_36 = arith.constant 0 : i32
      %dma_start3A_37 = tpu.memref_slice %arg7[%dma_start3A, %dma_start3A_36] : memref<40x128xi32, #tpu.memory_space<vmem>> -> memref<1x128xi32, #tpu.memory_space<vmem>>
      %dma_start3A_38 = tpu.memref_squeeze %dma_start3A_37 : memref<1x128xi32, #tpu.memory_space<vmem>> -> memref<128xi32, #tpu.memory_space<vmem>>
      %dma_start3A_39 = arith.constant 0 : i32
      %dma_start3A_40 = arith.constant 0 : i32
      %dma_start3A_41 = tpu.memref_slice %arg2[%dma_start3A_39, %dma_start3A_40] : memref<10000x128xf32, #tpu.memory_space<hbm>> -> memref<10000x128xf32, #tpu.memory_space<hbm>>
      tpu.enqueue_indirect_dma source(%dma_start3A_41 : memref<10000x128xf32, #tpu.memory_space<hbm>>) target(%arg9 : memref<128x128xf32, #tpu.memory_space<vmem>>) offsets(%dma_start3A_38 : memref<128xi32, #tpu.memory_space<vmem>>) semaphore(%arg12 : memref<!tpu.dma_semaphore, #tpu.memory_space<semaphore_mem>>)
      %dma_start3A_42 = arith.constant 1 : i32
      %dma_start3A_43 = arith.constant 0 : i32
      %dma_start3A_44 = tpu.memref_slice %arg7[%dma_start3A_42, %dma_start3A_43] : memref<40x128xi32, #tpu.memory_space<vmem>> -> memref<1x128xi32, #tpu.memory_space<vmem>>
      %dma_start3A_45 = tpu.memref_squeeze %dma_start3A_44 : memref<1x128xi32, #tpu.memory_space<vmem>> -> memref<128xi32, #tpu.memory_space<vmem>>
      %dma_start3A_46 = arith.constant 0 : i32
      %dma_start3A_47 = arith.constant 0 : i32
      %dma_start3A_48 = tpu.memref_slice %arg2[%dma_start3A_46, %dma_start3A_47] : memref<10000x128xf32, #tpu.memory_space<hbm>> -> memref<10000x128xf32, #tpu.memory_space<hbm>>
      tpu.enqueue_indirect_dma source(%dma_start3A_48 : memref<10000x128xf32, #tpu.memory_space<hbm>>) target(%arg10 : memref<128x128xf32, #tpu.memory_space<vmem>>) offsets(%dma_start3A_45 : memref<128xi32, #tpu.memory_space<vmem>>) semaphore(%arg13 : memref<!tpu.dma_semaphore, #tpu.memory_space<semaphore_mem>>)
      %scan3A_49 = arith.constant 0 : i32
      %scan3A_50 = arith.constant 20 : i32
      %scan3A_51 = arith.addi %scan3A_49, %scan3A_50 : i32
      %scan3A_52 = arith.constant 1 : i32
      scf.for %scan3A_54 = %scan3A_49 to %scan3A_51 step %scan3A_52  : i32 {
        %mul3A_55 = arith.constant 2 : i32
        %mul3A_56 = arith.muli %scan3A_54, %mul3A_55 : i32
        %add3A_57 = arith.constant 0 : i32
        %add3A_58 = arith.addi %add3A_57, %mul3A_56 : i32
        %dma_wait3A = arith.constant 0 : i32
        %dma_wait3A_59 = tpu.memref_slice %arg7[%add3A_58, %dma_wait3A] : memref<40x128xi32, #tpu.memory_space<vmem>> -> memref<1x128xi32, #tpu.memory_space<vmem>>
        %dma_wait3A_60 = tpu.memref_squeeze %dma_wait3A_59 : memref<1x128xi32, #tpu.memory_space<vmem>> -> memref<128xi32, #tpu.memory_space<vmem>>
        %dma_wait3A_61 = arith.constant 0 : i32
        %dma_wait3A_62 = arith.constant 0 : i32
        %dma_wait3A_63 = tpu.memref_slice %arg2[%dma_wait3A_61, %dma_wait3A_62] : memref<10000x128xf32, #tpu.memory_space<hbm>> -> memref<10000x128xf32, #tpu.memory_space<hbm>>
        tpu.wait_indirect_dma semaphore(%arg12 : memref<!tpu.dma_semaphore, #tpu.memory_space<semaphore_mem>>) src(%dma_wait3A_63 : memref<10000x128xf32, #tpu.memory_space<hbm>>) dst(%arg9 : memref<128x128xf32, #tpu.memory_space<vmem>>)
        "tpu.region"() ({
          %run_scoped3A = tpu.sem_alloc : memref<!tpu.dma_semaphore, #tpu.memory_space<semaphore_mem>>
          %dma_start3A_88 = arith.constant 0 : i32
          %dma_start3A_89 = tpu.memref_slice %arg8[%add3A_58, %dma_start3A_88] : memref<40x128xi32, #tpu.memory_space<vmem>> -> memref<1x128xi32, #tpu.memory_space<vmem>>
          %dma_start3A_90 = tpu.memref_squeeze %dma_start3A_89 : memref<1x128xi32, #tpu.memory_space<vmem>> -> memref<128xi32, #tpu.memory_space<vmem>>
          %dma_start3A_91 = arith.constant 0 : i32
          %dma_start3A_92 = arith.constant 0 : i32
          %dma_start3A_93 = tpu.memref_slice %arg11[%dma_start3A_91, %dma_start3A_92] : memref<10240x128xf32, #tpu.memory_space<vmem_shared>> -> memref<10240x128xf32, #tpu.memory_space<vmem_shared>>
          tpu.enqueue_indirect_dma source(%arg9 : memref<128x128xf32, #tpu.memory_space<vmem>>) target(%dma_start3A_93 : memref<10240x128xf32, #tpu.memory_space<vmem_shared>>) offsets(%dma_start3A_90 : memref<128xi32, #tpu.memory_space<vmem>>) semaphore(%run_scoped3A : memref<!tpu.dma_semaphore, #tpu.memory_space<semaphore_mem>>) {add = true}
          %dma_wait3A_94 = arith.constant 0 : i32
          %dma_wait3A_95 = tpu.memref_slice %arg8[%add3A_58, %dma_wait3A_94] : memref<40x128xi32, #tpu.memory_space<vmem>> -> memref<1x128xi32, #tpu.memory_space<vmem>>
          %dma_wait3A_96 = tpu.memref_squeeze %dma_wait3A_95 : memref<1x128xi32, #tpu.memory_space<vmem>> -> memref<128xi32, #tpu.memory_space<vmem>>
          %dma_wait3A_97 = arith.constant 0 : i32
          %dma_wait3A_98 = arith.constant 0 : i32
          %dma_wait3A_99 = tpu.memref_slice %arg11[%dma_wait3A_97, %dma_wait3A_98] : memref<10240x128xf32, #tpu.memory_space<vmem_shared>> -> memref<10240x128xf32, #tpu.memory_space<vmem_shared>>
          tpu.wait_indirect_dma semaphore(%run_scoped3A : memref<!tpu.dma_semaphore, #tpu.memory_space<semaphore_mem>>) src(%arg9 : memref<128x128xf32, #tpu.memory_space<vmem>>) dst(%dma_wait3A_99 : memref<10240x128xf32, #tpu.memory_space<vmem_shared>>)
          tpu.yield
        }) : () -> ()
        %add3A_64 = arith.constant 2 : i32
        %add3A_65 = arith.addi %add3A_58, %add3A_64 : i32
        %lt3A_66 = arith.constant 40 : i32
        %lt3A_67 = arith.cmpi slt, %add3A_65, %lt3A_66 : i32
        %convert_element_type3A_68 = arith.extui %lt3A_67 : i1 to i32
        %cond3A_69 = arith.constant 0 : i32
        %cond3A_70 = arith.cmpi ne, %convert_element_type3A_68, %cond3A_69 : i32
        scf.if %cond3A_70 {
          %add3A_88 = arith.constant 2 : i32
          %add3A_89 = arith.addi %add3A_58, %add3A_88 : i32
          %dma_start3A_90 = arith.constant 0 : i32
          %dma_start3A_91 = tpu.memref_slice %arg7[%add3A_89, %dma_start3A_90] : memref<40x128xi32, #tpu.memory_space<vmem>> -> memref<1x128xi32, #tpu.memory_space<vmem>>
          %dma_start3A_92 = tpu.memref_squeeze %dma_start3A_91 : memref<1x128xi32, #tpu.memory_space<vmem>> -> memref<128xi32, #tpu.memory_space<vmem>>
          %dma_start3A_93 = arith.constant 0 : i32
          %dma_start3A_94 = arith.constant 0 : i32
          %dma_start3A_95 = tpu.memref_slice %arg2[%dma_start3A_93, %dma_start3A_94] : memref<10000x128xf32, #tpu.memory_space<hbm>> -> memref<10000x128xf32, #tpu.memory_space<hbm>>
          tpu.enqueue_indirect_dma source(%dma_start3A_95 : memref<10000x128xf32, #tpu.memory_space<hbm>>) target(%arg9 : memref<128x128xf32, #tpu.memory_space<vmem>>) offsets(%dma_start3A_92 : memref<128xi32, #tpu.memory_space<vmem>>) semaphore(%arg12 : memref<!tpu.dma_semaphore, #tpu.memory_space<semaphore_mem>>)
        } else {
        }
        %add3A_71 = arith.constant 1 : i32
        %add3A_72 = arith.addi %add3A_58, %add3A_71 : i32
        %dma_wait3A_73 = arith.constant 0 : i32
        %dma_wait3A_74 = tpu.memref_slice %arg7[%add3A_72, %dma_wait3A_73] : memref<40x128xi32, #tpu.memory_space<vmem>> -> memref<1x128xi32, #tpu.memory_space<vmem>>
        %dma_wait3A_75 = tpu.memref_squeeze %dma_wait3A_74 : memref<1x128xi32, #tpu.memory_space<vmem>> -> memref<128xi32, #tpu.memory_space<vmem>>
        %dma_wait3A_76 = arith.constant 0 : i32
        %dma_wait3A_77 = arith.constant 0 : i32
        %dma_wait3A_78 = tpu.memref_slice %arg2[%dma_wait3A_76, %dma_wait3A_77] : memref<10000x128xf32, #tpu.memory_space<hbm>> -> memref<10000x128xf32, #tpu.memory_space<hbm>>
        tpu.wait_indirect_dma semaphore(%arg13 : memref<!tpu.dma_semaphore, #tpu.memory_space<semaphore_mem>>) src(%dma_wait3A_78 : memref<10000x128xf32, #tpu.memory_space<hbm>>) dst(%arg10 : memref<128x128xf32, #tpu.memory_space<vmem>>)
        %add3A_79 = arith.constant 1 : i32
        %add3A_80 = arith.addi %add3A_58, %add3A_79 : i32
        "tpu.region"() ({
          %run_scoped3A = tpu.sem_alloc : memref<!tpu.dma_semaphore, #tpu.memory_space<semaphore_mem>>
          %dma_start3A_88 = arith.constant 0 : i32
          %dma_start3A_89 = tpu.memref_slice %arg8[%add3A_80, %dma_start3A_88] : memref<40x128xi32, #tpu.memory_space<vmem>> -> memref<1x128xi32, #tpu.memory_space<vmem>>
          %dma_start3A_90 = tpu.memref_squeeze %dma_start3A_89 : memref<1x128xi32, #tpu.memory_space<vmem>> -> memref<128xi32, #tpu.memory_space<vmem>>
          %dma_start3A_91 = arith.constant 0 : i32
          %dma_start3A_92 = arith.constant 0 : i32
          %dma_start3A_93 = tpu.memref_slice %arg11[%dma_start3A_91, %dma_start3A_92] : memref<10240x128xf32, #tpu.memory_space<vmem_shared>> -> memref<10240x128xf32, #tpu.memory_space<vmem_shared>>
          tpu.enqueue_indirect_dma source(%arg10 : memref<128x128xf32, #tpu.memory_space<vmem>>) target(%dma_start3A_93 : memref<10240x128xf32, #tpu.memory_space<vmem_shared>>) offsets(%dma_start3A_90 : memref<128xi32, #tpu.memory_space<vmem>>) semaphore(%run_scoped3A : memref<!tpu.dma_semaphore, #tpu.memory_space<semaphore_mem>>) {add = true}
          %dma_wait3A_94 = arith.constant 0 : i32
          %dma_wait3A_95 = tpu.memref_slice %arg8[%add3A_80, %dma_wait3A_94] : memref<40x128xi32, #tpu.memory_space<vmem>> -> memref<1x128xi32, #tpu.memory_space<vmem>>
          %dma_wait3A_96 = tpu.memref_squeeze %dma_wait3A_95 : memref<1x128xi32, #tpu.memory_space<vmem>> -> memref<128xi32, #tpu.memory_space<vmem>>
          %dma_wait3A_97 = arith.constant 0 : i32
          %dma_wait3A_98 = arith.constant 0 : i32
          %dma_wait3A_99 = tpu.memref_slice %arg11[%dma_wait3A_97, %dma_wait3A_98] : memref<10240x128xf32, #tpu.memory_space<vmem_shared>> -> memref<10240x128xf32, #tpu.memory_space<vmem_shared>>
          tpu.wait_indirect_dma semaphore(%run_scoped3A : memref<!tpu.dma_semaphore, #tpu.memory_space<semaphore_mem>>) src(%arg10 : memref<128x128xf32, #tpu.memory_space<vmem>>) dst(%dma_wait3A_99 : memref<10240x128xf32, #tpu.memory_space<vmem_shared>>)
          tpu.yield
        }) : () -> ()
        %add3A_81 = arith.constant 3 : i32
        %add3A_82 = arith.addi %add3A_58, %add3A_81 : i32
        %lt3A_83 = arith.constant 40 : i32
        %lt3A_84 = arith.cmpi slt, %add3A_82, %lt3A_83 : i32
        %convert_element_type3A_85 = arith.extui %lt3A_84 : i1 to i32
        %cond3A_86 = arith.constant 0 : i32
        %cond3A_87 = arith.cmpi ne, %convert_element_type3A_85, %cond3A_86 : i32
        scf.if %cond3A_87 {
          %add3A_88 = arith.constant 3 : i32
          %add3A_89 = arith.addi %add3A_58, %add3A_88 : i32
          %dma_start3A_90 = arith.constant 0 : i32
          %dma_start3A_91 = tpu.memref_slice %arg7[%add3A_89, %dma_start3A_90] : memref<40x128xi32, #tpu.memory_space<vmem>> -> memref<1x128xi32, #tpu.memory_space<vmem>>
          %dma_start3A_92 = tpu.memref_squeeze %dma_start3A_91 : memref<1x128xi32, #tpu.memory_space<vmem>> -> memref<128xi32, #tpu.memory_space<vmem>>
          %dma_start3A_93 = arith.constant 0 : i32
          %dma_start3A_94 = arith.constant 0 : i32
          %dma_start3A_95 = tpu.memref_slice %arg2[%dma_start3A_93, %dma_start3A_94] : memref<10000x128xf32, #tpu.memory_space<hbm>> -> memref<10000x128xf32, #tpu.memory_space<hbm>>
          tpu.enqueue_indirect_dma source(%dma_start3A_95 : memref<10000x128xf32, #tpu.memory_space<hbm>>) target(%arg10 : memref<128x128xf32, #tpu.memory_space<vmem>>) offsets(%dma_start3A_92 : memref<128xi32, #tpu.memory_space<vmem>>) semaphore(%arg13 : memref<!tpu.dma_semaphore, #tpu.memory_space<semaphore_mem>>)
        } else {
        }
      }
      %scan3A_53 = arith.constant 20 : i32
    }
    %scan3A_16 = arith.constant 2 : i32
    %barrier3A_17 = arith.constant 0 : index
    tpu.barrier barrier_id(%barrier3A_17)
    %mul3A_18 = arith.constant 640 : i32
    %mul3A_19 = arith.muli %arg1, %mul3A_18 : i32
    %mul3A_20 = arith.constant 640 : i32
    %mul3A_21 = arith.muli %arg1, %mul3A_20 : i32
    "tpu.region"() ({
      %run_scoped3A = tpu.sem_alloc : memref<!tpu.dma_semaphore, #tpu.memory_space<semaphore_mem>>
      %dma_start3A = arith.constant 0 : i32
      %dma_start3A_22 = arith.constant 0 : i32
      %dma_start3A_23 = tpu.memref_slice %arg6[%arg0, %dma_start3A, %dma_start3A_22] : memref<2x10240x128xf32, #tpu.memory_space<hbm>> -> memref<1x10240x128xf32, #tpu.memory_space<hbm>>
      %dma_start3A_24 = tpu.memref_squeeze %dma_start3A_23 : memref<1x10240x128xf32, #tpu.memory_space<hbm>> -> memref<10240x128xf32, #tpu.memory_space<hbm>>
      %dma_start3A_25 = arith.constant 0 : i32
      %dma_start3A_26 = tpu.memref_slice %dma_start3A_24[%mul3A_21, %dma_start3A_25] : memref<10240x128xf32, #tpu.memory_space<hbm>> -> memref<640x128xf32, #tpu.memory_space<hbm>>
      %dma_start3A_27 = arith.constant 0 : i32
      %dma_start3A_28 = tpu.memref_slice %arg11[%mul3A_19, %dma_start3A_27] : memref<10240x128xf32, #tpu.memory_space<vmem_shared>> -> memref<640x128xf32, #tpu.memory_space<vmem_shared>>
      tpu.enqueue_dma source(%dma_start3A_28 : memref<640x128xf32, #tpu.memory_space<vmem_shared>>) target(%dma_start3A_26 : memref<640x128xf32, #tpu.memory_space<hbm>>) target_semaphore(%run_scoped3A : memref<!tpu.dma_semaphore, #tpu.memory_space<semaphore_mem>>)
      %dma_wait3A = arith.constant 0 : i32
      %dma_wait3A_29 = arith.constant 0 : i32
      %dma_wait3A_30 = tpu.memref_slice %arg6[%arg0, %dma_wait3A, %dma_wait3A_29] : memref<2x10240x128xf32, #tpu.memory_space<hbm>> -> memref<1x10240x128xf32, #tpu.memory_space<hbm>>
      %dma_wait3A_31 = tpu.memref_squeeze %dma_wait3A_30 : memref<1x10240x128xf32, #tpu.memory_space<hbm>> -> memref<10240x128xf32, #tpu.memory_space<hbm>>
      %dma_wait3A_32 = arith.constant 0 : i32
      %dma_wait3A_33 = tpu.memref_slice %dma_wait3A_31[%mul3A_21, %dma_wait3A_32] : memref<10240x128xf32, #tpu.memory_space<hbm>> -> memref<640x128xf32, #tpu.memory_space<hbm>>
      %dma_wait3A_34 = arith.constant 0 : i32
      %dma_wait3A_35 = tpu.memref_slice %arg11[%mul3A_19, %dma_wait3A_34] : memref<10240x128xf32, #tpu.memory_space<vmem_shared>> -> memref<640x128xf32, #tpu.memory_space<vmem_shared>>
      tpu.wait_dma2 semaphore(%run_scoped3A : memref<!tpu.dma_semaphore, #tpu.memory_space<semaphore_mem>>) src(%dma_wait3A_35 : memref<640x128xf32, #tpu.memory_space<vmem_shared>>) dst(%dma_wait3A_33 : memref<640x128xf32, #tpu.memory_space<hbm>>)
      tpu.yield
    }) : () -> ()
    return
  }
}

module attributes {stable_mosaic.version = 14 : i64} {
  func.func @_mm_scale_body(%arg0: i32, %arg1: memref<2000x1xf32, #tpu.memory_space<vmem>>, %arg2: memref<2000x128xf32, #tpu.memory_space<vmem>>, %arg3: memref<128x128xf32, #tpu.memory_space<vmem>>, %arg4: memref<2000x128xf32, #tpu.memory_space<vmem>>) attributes {dimension_semantics = [#tpu.dimension_semantics<arbitrary>], iteration_bounds = array<i64: 5>, scalar_prefetch = 0 : i64, scratch_operands = 0 : i64, tpu.core_type = #tpu.core_type<tc>, window_params = [{transform_indices = @transform_0, window_bounds = array<i64: 2000, 1>}, {transform_indices = @transform_1, window_bounds = array<i64: 2000, 128>}, {pipeline_mode = #tpu.pipeline_mode<synchronous>, transform_indices = @transform_2, window_bounds = array<i64: 128, 128>}, {transform_indices = @transform_3, window_bounds = array<i64: 2000, 128>}]} {
    %get3A = arith.constant 0 : index
    %get3A_0 = arith.constant 0 : index
    %get3A_1 = vector.load %arg1[%get3A, %get3A_0] : memref<2000x1xf32, #tpu.memory_space<vmem>>, vector<2000x1xf32>
    %get3A_2 = arith.constant 0 : index
    %get3A_3 = arith.constant 0 : index
    %get3A_4 = vector.load %arg2[%get3A_2, %get3A_3] : memref<2000x128xf32, #tpu.memory_space<vmem>>, vector<2000x128xf32>
    %get3A_5 = arith.constant 0 : index
    %get3A_6 = arith.constant 0 : index
    %get3A_7 = vector.load %arg3[%get3A_5, %get3A_6] : memref<128x128xf32, #tpu.memory_space<vmem>>, vector<128x128xf32>
    %dot_general3A = arith.constant dense<0.000000e+00> : vector<2000x128xf32>
    %dot_general3A_8 = tpu.matmul %get3A_4, %get3A_7, %dot_general3A {dimension_numbers = #tpu.dot_dimension_numbers<[1], [0], [0], [1], [0, 0, 1, 1], [], []>, transpose_lhs_hint = false} : vector<2000x128xf32>, vector<128x128xf32>, vector<2000x128xf32> -> vector<2000x128xf32>
    %mul3A = vector.broadcast %get3A_1 : vector<2000x1xf32> to vector<2000x128xf32>
    %mul3A_9 = arith.mulf %dot_general3A_8, %mul3A : vector<2000x128xf32>
    %swap3A = arith.constant 0 : index
    %swap3A_10 = arith.constant 0 : index
    %swap3A_11 = vector.load %arg4[%swap3A, %swap3A_10] : memref<2000x128xf32, #tpu.memory_space<vmem>>, vector<2000x128xf32>
    tpu.vector_store %arg4[%swap3A, %swap3A_10], %mul3A_9 {strides = array<i32>} : memref<2000x128xf32, #tpu.memory_space<vmem>>, vector<2000x128xf32>,
    return
  }
  func.func @transform_0(%arg0: i32) -> (i32, i32) {
    %c0_i32 = arith.constant 0 : i32
    %c0_i32_0 = arith.constant 0 : i32
    return %arg0, %c0_i32 : i32, i32
  }
  func.func @transform_1(%arg0: i32) -> (i32, i32) {
    %c0_i32 = arith.constant 0 : i32
    %c0_i32_0 = arith.constant 0 : i32
    return %arg0, %c0_i32 : i32, i32
  }
  func.func @transform_2(%arg0: i32) -> (i32, i32) {
    %c0_i32 = arith.constant 0 : i32
    %c0_i32_0 = arith.constant 0 : i32
    %c0_i32_1 = arith.constant 0 : i32
    return %c0_i32, %c0_i32_0 : i32, i32
  }
  func.func @transform_3(%arg0: i32) -> (i32, i32) {
    %c0_i32 = arith.constant 0 : i32
    %c0_i32_0 = arith.constant 0 : i32
    return %arg0, %c0_i32 : i32, i32
  }
}

module attributes {stable_mosaic.version = 14 : i64} {
  func.func @_dinv_body(%arg0: i32, %arg1: memref<2x10240xf32, #tpu.memory_space<vmem>>, %arg2: memref<10240x1xf32, #tpu.memory_space<vmem>>) attributes {dimension_semantics = [#tpu.dimension_semantics<arbitrary>], iteration_bounds = array<i64: 1>, scalar_prefetch = 0 : i64, scratch_operands = 0 : i64, tpu.core_type = #tpu.core_type<tc>, window_params = [{pipeline_mode = #tpu.pipeline_mode<synchronous>, transform_indices = @transform_0, window_bounds = array<i64: 2, 10240>}, {pipeline_mode = #tpu.pipeline_mode<synchronous>, transform_indices = @transform_1, window_bounds = array<i64: 10240, 1>}]} {
    %broadcast_in_dim3A = arith.constant 1.000000e+00 : f32
    %broadcast_in_dim3A_0 = vector.broadcast %broadcast_in_dim3A : f32 to vector<2x1xf32>
    %get3A = arith.constant 0 : index
    %get3A_1 = arith.constant 0 : index
    %get3A_2 = vector.load %arg1[%get3A, %get3A_1] : memref<2x10240xf32, #tpu.memory_space<vmem>>, vector<2x10240xf32>
    %dot_general3A = arith.constant dense<0.000000e+00> : vector<10240x1xf32>
    %dot_general3A_3 = tpu.matmul %get3A_2, %broadcast_in_dim3A_0, %dot_general3A {dimension_numbers = #tpu.dot_dimension_numbers<[0], [0], [1], [1], [0, 1, 1, 1], [], []>, transpose_lhs_hint = false} : vector<2x10240xf32>, vector<2x1xf32>, vector<10240x1xf32> -> vector<10240x1xf32>
    %add3A = arith.constant 1.000000e+00 : f32
    %add3A_4 = vector.broadcast %add3A : f32 to vector<10240x1xf32>
    %add3A_5 = arith.addf %dot_general3A_3, %add3A_4 : vector<10240x1xf32>
    %rsqrt3A = math.rsqrt %add3A_5 : vector<10240x1xf32>
    %swap3A = arith.constant 0 : index
    %swap3A_6 = arith.constant 0 : index
    %swap3A_7 = vector.load %arg2[%swap3A, %swap3A_6] : memref<10240x1xf32, #tpu.memory_space<vmem>>, vector<10240x1xf32>
    tpu.vector_store %arg2[%swap3A, %swap3A_6], %rsqrt3A {strides = array<i32>} : memref<10240x1xf32, #tpu.memory_space<vmem>>, vector<10240x1xf32>,
    return
  }
  func.func @transform_0(%arg0: i32) -> (i32, i32) {
    %c0_i32 = arith.constant 0 : i32
    %c0_i32_0 = arith.constant 0 : i32
    %c0_i32_1 = arith.constant 0 : i32
    return %c0_i32, %c0_i32_0 : i32, i32
  }
  func.func @transform_1(%arg0: i32) -> (i32, i32) {
    %c0_i32 = arith.constant 0 : i32
    %c0_i32_0 = arith.constant 0 : i32
    %c0_i32_1 = arith.constant 0 : i32
    return %c0_i32, %c0_i32_0 : i32, i32
  }
}

module attributes {stable_mosaic.version = 14 : i64} {
  func.func @_combine_mm_body(%arg0: i32, %arg1: memref<2000x1xf32, #tpu.memory_space<vmem>>, %arg2: memref<2x2000x128xf32, #tpu.memory_space<vmem>>, %arg3: memref<2000x128xf32, #tpu.memory_space<vmem>>, %arg4: memref<1x128xf32, #tpu.memory_space<vmem>>, %arg5: memref<128x128xf32, #tpu.memory_space<vmem>>, %arg6: memref<2000x128xf32, #tpu.memory_space<vmem>>) attributes {dimension_semantics = [#tpu.dimension_semantics<arbitrary>], iteration_bounds = array<i64: 5>, scalar_prefetch = 0 : i64, scratch_operands = 0 : i64, tpu.core_type = #tpu.core_type<tc>, window_params = [{transform_indices = @transform_0, window_bounds = array<i64: 2000, 1>}, {transform_indices = @transform_1, window_bounds = array<i64: 2, 2000, 128>}, {transform_indices = @transform_2, window_bounds = array<i64: 2000, 128>}, {pipeline_mode = #tpu.pipeline_mode<synchronous>, transform_indices = @transform_3, window_bounds = array<i64: 1, 128>}, {pipeline_mode = #tpu.pipeline_mode<synchronous>, transform_indices = @transform_4, window_bounds = array<i64: 128, 128>}, {transform_indices = @transform_5, window_bounds = array<i64: 2000, 128>}]} {
    %get3A = arith.constant 0 : index
    %get3A_0 = arith.constant 0 : index
    %get3A_1 = vector.load %arg1[%get3A, %get3A_0] : memref<2000x1xf32, #tpu.memory_space<vmem>>, vector<2000x1xf32>
    %get3A_2 = arith.constant 0 : index
    %get3A_3 = arith.constant 0 : index
    %get3A_4 = arith.constant 0 : index
    %get3A_5 = vector.load %arg2[%get3A_2, %get3A_3, %get3A_4] : memref<2x2000x128xf32, #tpu.memory_space<vmem>>, vector<1x2000x128xf32>
    %get3A_6 = vector.shape_cast %get3A_5 : vector<1x2000x128xf32> to vector<2000x128xf32>
    %get3A_7 = arith.constant 1 : index
    %get3A_8 = arith.constant 0 : index
    %get3A_9 = arith.constant 0 : index
    %get3A_10 = vector.load %arg2[%get3A_7, %get3A_8, %get3A_9] : memref<2x2000x128xf32, #tpu.memory_space<vmem>>, vector<1x2000x128xf32>
    %get3A_11 = vector.shape_cast %get3A_10 : vector<1x2000x128xf32> to vector<2000x128xf32>
    %add3A = arith.addf %get3A_6, %get3A_11 : vector<2000x128xf32>
    %get3A_12 = arith.constant 0 : index
    %get3A_13 = arith.constant 0 : index
    %get3A_14 = vector.load %arg3[%get3A_12, %get3A_13] : memref<2000x128xf32, #tpu.memory_space<vmem>>, vector<2000x128xf32>
    %add3A_15 = arith.addf %add3A, %get3A_14 : vector<2000x128xf32>
    %mul3A = vector.broadcast %get3A_1 : vector<2000x1xf32> to vector<2000x128xf32>
    %mul3A_16 = arith.mulf %add3A_15, %mul3A : vector<2000x128xf32>
    %get3A_17 = arith.constant 0 : index
    %get3A_18 = arith.constant 0 : index
    %get3A_19 = vector.load %arg4[%get3A_17, %get3A_18] : memref<1x128xf32, #tpu.memory_space<vmem>>, vector<1x128xf32>
    %add3A_20 = vector.broadcast %get3A_19 : vector<1x128xf32> to vector<2000x128xf32>
    %add3A_21 = arith.addf %mul3A_16, %add3A_20 : vector<2000x128xf32>
    %max3A = arith.constant 0.000000e+00 : f32
    %max3A_22 = vector.broadcast %max3A : f32 to vector<2000x128xf32>
    %max3A_23 = arith.maximumf %add3A_21, %max3A_22 : vector<2000x128xf32>
    %get3A_24 = arith.constant 0 : index
    %get3A_25 = arith.constant 0 : index
    %get3A_26 = vector.load %arg5[%get3A_24, %get3A_25] : memref<128x128xf32, #tpu.memory_space<vmem>>, vector<128x128xf32>
    %dot_general3A = arith.constant dense<0.000000e+00> : vector<2000x128xf32>
    %dot_general3A_27 = tpu.matmul %max3A_23, %get3A_26, %dot_general3A {dimension_numbers = #tpu.dot_dimension_numbers<[1], [0], [0], [1], [0, 0, 1, 1], [], []>, transpose_lhs_hint = false} : vector<2000x128xf32>, vector<128x128xf32>, vector<2000x128xf32> -> vector<2000x128xf32>
    %mul3A_28 = vector.broadcast %get3A_1 : vector<2000x1xf32> to vector<2000x128xf32>
    %mul3A_29 = arith.mulf %dot_general3A_27, %mul3A_28 : vector<2000x128xf32>
    %swap3A = arith.constant 0 : index
    %swap3A_30 = arith.constant 0 : index
    %swap3A_31 = vector.load %arg6[%swap3A, %swap3A_30] : memref<2000x128xf32, #tpu.memory_space<vmem>>, vector<2000x128xf32>
    tpu.vector_store %arg6[%swap3A, %swap3A_30], %mul3A_29 {strides = array<i32>} : memref<2000x128xf32, #tpu.memory_space<vmem>>, vector<2000x128xf32>,
    return
  }
  func.func @transform_0(%arg0: i32) -> (i32, i32) {
    %c0_i32 = arith.constant 0 : i32
    %c0_i32_0 = arith.constant 0 : i32
    return %arg0, %c0_i32 : i32, i32
  }
  func.func @transform_1(%arg0: i32) -> (i32, i32, i32) {
    %c0_i32 = arith.constant 0 : i32
    %c0_i32_0 = arith.constant 0 : i32
    %c0_i32_1 = arith.constant 0 : i32
    return %c0_i32, %arg0, %c0_i32_0 : i32, i32, i32
  }
  func.func @transform_2(%arg0: i32) -> (i32, i32) {
    %c0_i32 = arith.constant 0 : i32
    %c0_i32_0 = arith.constant 0 : i32
    return %arg0, %c0_i32 : i32, i32
  }
  func.func @transform_3(%arg0: i32) -> (i32, i32) {
    %c0_i32 = arith.constant 0 : i32
    %c0_i32_0 = arith.constant 0 : i32
    %c0_i32_1 = arith.constant 0 : i32
    return %c0_i32, %c0_i32_0 : i32, i32
  }
  func.func @transform_4(%arg0: i32) -> (i32, i32) {
    %c0_i32 = arith.constant 0 : i32
    %c0_i32_0 = arith.constant 0 : i32
    %c0_i32_1 = arith.constant 0 : i32
    return %c0_i32, %c0_i32_0 : i32, i32
  }
  func.func @transform_5(%arg0: i32) -> (i32, i32) {
    %c0_i32 = arith.constant 0 : i32
    %c0_i32_0 = arith.constant 0 : i32
    return %arg0, %c0_i32 : i32, i32
  }
}

module attributes {stable_mosaic.version = 14 : i64} {
  func.func @_combine_out_body(%arg0: i32, %arg1: memref<2000x1xf32, #tpu.memory_space<vmem>>, %arg2: memref<2x2000x128xf32, #tpu.memory_space<vmem>>, %arg3: memref<2000x128xf32, #tpu.memory_space<vmem>>, %arg4: memref<1x128xf32, #tpu.memory_space<vmem>>, %arg5: memref<2000x128xf32, #tpu.memory_space<vmem>>) attributes {dimension_semantics = [#tpu.dimension_semantics<arbitrary>], iteration_bounds = array<i64: 5>, scalar_prefetch = 0 : i64, scratch_operands = 0 : i64, tpu.core_type = #tpu.core_type<tc>, window_params = [{transform_indices = @transform_0, window_bounds = array<i64: 2000, 1>}, {transform_indices = @transform_1, window_bounds = array<i64: 2, 2000, 128>}, {transform_indices = @transform_2, window_bounds = array<i64: 2000, 128>}, {pipeline_mode = #tpu.pipeline_mode<synchronous>, transform_indices = @transform_3, window_bounds = array<i64: 1, 128>}, {transform_indices = @transform_4, window_bounds = array<i64: 2000, 128>}]} {
    %get3A = arith.constant 0 : index
    %get3A_0 = arith.constant 0 : index
    %get3A_1 = vector.load %arg1[%get3A, %get3A_0] : memref<2000x1xf32, #tpu.memory_space<vmem>>, vector<2000x1xf32>
    %get3A_2 = arith.constant 0 : index
    %get3A_3 = arith.constant 0 : index
    %get3A_4 = arith.constant 0 : index
    %get3A_5 = vector.load %arg2[%get3A_2, %get3A_3, %get3A_4] : memref<2x2000x128xf32, #tpu.memory_space<vmem>>, vector<1x2000x128xf32>
    %get3A_6 = vector.shape_cast %get3A_5 : vector<1x2000x128xf32> to vector<2000x128xf32>
    %get3A_7 = arith.constant 1 : index
    %get3A_8 = arith.constant 0 : index
    %get3A_9 = arith.constant 0 : index
    %get3A_10 = vector.load %arg2[%get3A_7, %get3A_8, %get3A_9] : memref<2x2000x128xf32, #tpu.memory_space<vmem>>, vector<1x2000x128xf32>
    %get3A_11 = vector.shape_cast %get3A_10 : vector<1x2000x128xf32> to vector<2000x128xf32>
    %add3A = arith.addf %get3A_6, %get3A_11 : vector<2000x128xf32>
    %get3A_12 = arith.constant 0 : index
    %get3A_13 = arith.constant 0 : index
    %get3A_14 = vector.load %arg3[%get3A_12, %get3A_13] : memref<2000x128xf32, #tpu.memory_space<vmem>>, vector<2000x128xf32>
    %add3A_15 = arith.addf %add3A, %get3A_14 : vector<2000x128xf32>
    %mul3A = vector.broadcast %get3A_1 : vector<2000x1xf32> to vector<2000x128xf32>
    %mul3A_16 = arith.mulf %add3A_15, %mul3A : vector<2000x128xf32>
    %get3A_17 = arith.constant 0 : index
    %get3A_18 = arith.constant 0 : index
    %get3A_19 = vector.load %arg4[%get3A_17, %get3A_18] : memref<1x128xf32, #tpu.memory_space<vmem>>, vector<1x128xf32>
    %add3A_20 = vector.broadcast %get3A_19 : vector<1x128xf32> to vector<2000x128xf32>
    %add3A_21 = arith.addf %mul3A_16, %add3A_20 : vector<2000x128xf32>
    %max3A = arith.constant 0.000000e+00 : f32
    %max3A_22 = vector.broadcast %max3A : f32 to vector<2000x128xf32>
    %max3A_23 = arith.maximumf %add3A_21, %max3A_22 : vector<2000x128xf32>
    %swap3A = arith.constant 0 : index
    %swap3A_24 = arith.constant 0 : index
    %swap3A_25 = vector.load %arg5[%swap3A, %swap3A_24] : memref<2000x128xf32, #tpu.memory_space<vmem>>, vector<2000x128xf32>
    tpu.vector_store %arg5[%swap3A, %swap3A_24], %max3A_23 {strides = array<i32>} : memref<2000x128xf32, #tpu.memory_space<vmem>>, vector<2000x128xf32>,
    return
  }
  func.func @transform_0(%arg0: i32) -> (i32, i32) {
    %c0_i32 = arith.constant 0 : i32
    %c0_i32_0 = arith.constant 0 : i32
    return %arg0, %c0_i32 : i32, i32
  }
  func.func @transform_1(%arg0: i32) -> (i32, i32, i32) {
    %c0_i32 = arith.constant 0 : i32
    %c0_i32_0 = arith.constant 0 : i32
    %c0_i32_1 = arith.constant 0 : i32
    return %c0_i32, %arg0, %c0_i32_0 : i32, i32, i32
  }
  func.func @transform_2(%arg0: i32) -> (i32, i32) {
    %c0_i32 = arith.constant 0 : i32
    %c0_i32_0 = arith.constant 0 : i32
    return %arg0, %c0_i32 : i32, i32
  }
  func.func @transform_3(%arg0: i32) -> (i32, i32) {
    %c0_i32 = arith.constant 0 : i32
    %c0_i32_0 = arith.constant 0 : i32
    %c0_i32_1 = arith.constant 0 : i32
    return %c0_i32, %c0_i32_0 : i32, i32
  }
  func.func @transform_4(%arg0: i32) -> (i32, i32) {
    %c0_i32 = arith.constant 0 : i32
    %c0_i32_0 = arith.constant 0 : i32
    return %arg0, %c0_i32 : i32, i32
  }
}

</mosaic_0001>

<sc_bundles>
// kernel: kernel.12.cloned.1.call-start
scs
__scs_entry_jumppad:
0x0: {  	(pc) =	sbr.rel $0x88, $3  }
0x1: {  	(tag) =	ssettag $0x0;
	lr =	simm.s32 $0x1  }
0x2: {  	[smem:$0x3F9B] =	sst lr;
	_ =	strace $0xD0000000  }
0x3: {  	_ = 	snop  }
0x4: {  	_ = 	snop  }
0x5: {  	_ = 	snop  }
0x6: {  	_ = 	snop  }
0x7: {  	_ = 	snop  }
__scs_overlays_trampoline_lowered:
0x8: {  	[smem:$0x3FAA] =	sst s0  }
0x9: {  	[smem:$0x3FAB] =	sst s1  }
0xa: {  	[smem:$0x3FAC] =	sst s2  }
0xb: {  	[smem:$0x3FAD] =	sst s3  }
0xc: {  	[smem:$0x3FAE] =	sst s4  }
0xd: {  	[smem:$0x3FAF] =	sst s5  }
0xe: {  	[smem:$0x3FB0] =	sst s6  }
0xf: {  	[smem:$0x3FB1] =	sst s7  }
0x10: {  	[smem:$0x3FB2] =	sst s8  }
0x11: {  	[smem:$0x3FB3] =	sst s9;
	s0 =	simm.s32 @!p0 $0x0  }
0x12: {  	s1 =	sld [smem:$0x3F99];
	s0 =	simm.s32 @p0 $0x1  }
0x13: {  	[smem:$0x3FB4] =	sst s0;
	s0 =	simm.s32 @!p1 $0x0  }
0x14: {  	s2 =	sld [smem:$0x3F98];
	s0 =	simm.s32 @p1 $0x1  }
0x15: {  	[smem:$0x3FB5] =	sst s0;
	s0 =	simm.s32 @!p2 $0x0  }
0x16: {  	s3 =	sld [smem:$0x3FDB];
	s0 =	simm.s32 @p2 $0x1  }
0x17: {  	s4 =	simm.s32 $0x1BF5;
	[smem:$0x3FB7] =	sst s0  }
0x18: {  	s0 =	sld [smem:$0x3F9A];
	_ =	swait.ge [sflag:s4], $0x0  }
0x19: {  	s7 =	sld [smem:$0x3F9B]  }
0x1a: {  	s8 =	sadd.s32 $0xFFFFE003, lr  }
0x1b: {  	s9 =	sadd.s32 $0xFFFFFEF7, lr;
	s5 =	simm.s32 $0xFFFFFFFF;
	p2 =	slt.u32 s8, $0xFFFFF086  }
0x1c: {  	p1 =	slt.u32 s9, $0xF7A;
	s5 =	simm.s32 @!p2 $0x0  }
0x1d: {  	s5 =	simm.s32 @p1 $0x1;
	p0 =	seq.s32 s7, s2  }
0x1e: {  	s7 =	smul.u32 @!p0 $0xF7A, s2;
	p2 =	seq.s32 @!p0 s5, $0x0  }
0x1f: {  	s9 =	smul.u32 $0xF7A, s1;
	s8 =	simm.s32 @!p0 $0x1BF5;
	p2 =	por !p2, p0  }
0x20: {  	[sflag:s8] =	ssyncset.s32 @!p0 $0xFFFFF086;
	s6 =	sadd.s32 @!p0 s3, s7;
	s7 =	simm.s32 @!p0 $0x108  }
0x21: {  	s3 =	sadd.s32 s3, s9;
	s6 =	sadd.s32 @!p0 $0x88, s6;
	s7 =	simm.s32 @p2 $0x1082  }
0x22: {  	[simem:s7], [sflag:s8] =	dma.local @!p0 [hbm:s6], $0xF7A  }
0x23: {  	s9 =	sor.u32 $0xD0000000, s2;
	s6 =	simm.s32 $0x108;
	_ =	swait.ge @!p0 [sflag:s8], $0x0  }
0x24: {  	s3 =	sadd.s32 $0x88, s3;
	s6 =	simm.s32 @!p1 $0x1082;
	[sflag:s4] =	ssyncset.s32 $0xFFFFF086  }
0x25: {  	[simem:s6], [sflag:s4] =	dma.local [hbm:s3], $0xF7A  }
0x26: {  	[smem:$0x3F9B] =	sst s1;
	(tag) =	ssettag s2;
	_ =	strace s9  }
0x27: {  	s1 =	sld [smem:$0x3FAB]  }
0x28: {  	s2 =	sld [smem:$0x3FAC]  }
0x29: {  	s4 =	sld [smem:$0x3FAE]  }
0x2a: {  	p0 =	seq.s32 s5, $0x0;
	s5 =	sld [smem:$0x3FAF]  }
0x2b: {  	s6 =	sld [smem:$0x3FB0]  }
0x2c: {  	s7 =	sld [smem:$0x3FB1]  }
0x2d: {  	s3 =	simm.s32 $0x108;
	s8 =	sld [smem:$0x3FB2]  }
0x2e: {  	s3 =	simm.s32 @!p0 $0x1082;
	s9 =	sld [smem:$0x3FB3]  }
0x2f: {  	lr =	sadd.s32 s0, s3;
	s0 =	sld [smem:$0x3FAA]  }
0x30: {  	s3 =	sld [smem:$0x3FAD]  }
0x31: {  	[smem:$0x3FB6] =	sst s10  }
0x32: {  	s10 =	sld [smem:$0x3FB4];
	_ =	sdelay $0x3  }
0x33: {  	p0 =	seq.s32 s10, $0x1;
	s10 =	sld [smem:$0x3FB6];
	_ =	sdelay $0x3  }
0x34: {  	[smem:$0x3FB6] =	sst s10  }
0x35: {  	s10 =	sld [smem:$0x3FB5];
	_ =	sdelay $0x3  }
0x36: {  	p1 =	seq.s32 s10, $0x1;
	s10 =	sld [smem:$0x3FB6];
	_ =	sdelay $0x3  }
0x37: {  	[smem:$0x3FB6] =	sst s10  }
0x38: {  	s10 =	sld [smem:$0x3FB7]  }
0x39: {  	_ = 	snop;
	(pc) =	sbr.ind lr, $3  }
0x3a: {  	_ = 	snop  }
0x3b: {  	_ = 	snop  }
0x3c: {  	p2 =	seq.s32 s10, $0x1;
	s10 =	sld [smem:$0x3FB6]  }
0x3d: {  	_ =	shalt  }
0x3e: {  	_ =	shalt  }
0x3f: {  	_ =	shalt  }
0x40: {  	_ =	shalt  }
0x41: {  	_ =	shalt  }
0x42: {  	_ =	shalt  }
0x43: {  	_ =	shalt  }
0x44: {  	_ =	shalt  }
0x45: {  	_ =	shalt  }
0x46: {  	_ =	shalt  }
0x47: {  	_ =	shalt  }
0x48: {  	_ =	shalt  }
0x49: {  	_ =	shalt  }
0x4a: {  	_ =	shalt  }
0x4b: {  	_ =	shalt  }
0x4c: {  	_ =	shalt  }
0x4d: {  	_ =	shalt  }
0x4e: {  	_ =	shalt  }
0x4f: {  	_ =	shalt  }
0x50: {  	_ =	shalt  }
0x51: {  	_ =	shalt  }
0x52: {  	_ =	shalt  }
0x53: {  	_ =	shalt  }
0x54: {  	_ =	shalt  }
0x55: {  	_ =	shalt  }
0x56: {  	_ =	shalt  }
0x57: {  	_ =	shalt  }
0x58: {  	_ =	shalt  }
0x59: {  	_ =	shalt  }
0x5a: {  	_ =	shalt  }
0x5b: {  	_ =	shalt  }
0x5c: {  	_ =	shalt  }
0x5d: {  	_ =	shalt  }
0x5e: {  	_ =	shalt  }
0x5f: {  	_ =	shalt  }
0x60: {  	_ =	shalt  }
0x61: {  	_ =	shalt  }
0x62: {  	_ =	shalt  }
0x63: {  	_ =	shalt  }
0x64: {  	_ =	shalt  }
0x65: {  	_ =	shalt  }
0x66: {  	_ =	shalt  }
0x67: {  	_ =	shalt  }
0x68: {  	_ =	shalt  }
0x69: {  	_ =	shalt  }
0x6a: {  	_ =	shalt  }
0x6b: {  	_ =	shalt  }
0x6c: {  	_ =	shalt  }
0x6d: {  	_ =	shalt  }
0x6e: {  	_ =	shalt  }
0x6f: {  	_ =	shalt  }
0x70: {  	_ =	shalt  }
0x71: {  	_ =	shalt  }
0x72: {  	_ =	shalt  }
0x73: {  	_ =	shalt  }
0x74: {  	_ =	shalt  }
0x75: {  	_ =	shalt  }
0x76: {  	_ =	shalt  }
0x77: {  	_ =	shalt  }
0x78: {  	_ =	shalt  }
0x79: {  	_ =	shalt  }
0x7a: {  	_ =	shalt  }
0x7b: {  	_ =	shalt  }
0x7c: {  	_ =	shalt  }
0x7d: {  	_ =	shalt  }
0x7e: {  	_ =	shalt  }
0x7f: {  	_ =	shalt  }
0x80: {  	_ =	shalt  }
0x81: {  	_ =	shalt  }
0x82: {  	_ =	shalt  }
0x83: {  	_ =	shalt  }
0x84: {  	_ =	shalt  }
0x85: {  	_ =	shalt  }
0x86: {  	_ =	shalt  }
0x87: {  	_ =	shalt  }
.Lfunc_end0:
.L_simem_size_0:
called_computation.1_lowered:
.L_overlay_start_0:
0x88: {  	s2 =	sld [smem:$0x3FD9]  }
0x89: {  	s3 =	sld [smem:$0x3FFE];
	_ =	sdelay $0x1  }
0x8a: {  	s1 =	srdreg.scid  }
0x8b: {  	s0 =	sand.u32 $0x1, s1  }
0x8c: {  	s17 =	sshll.u32 s0, $0xA;
	s2 =	sadd.s32 s3, s2  }
0x8d: {  	s2 =	sadd.s32 s2, s17  }
0x8e: {  	[smem:$0x3FC2] =	sst s2  }
0x8f: {  	_ = 	snop  }
0x90: {  	s2 =	sld [smem:$0x3FD0];
	(tm) =	ssettm $0x1  }
0x91: {  	s18 =	sld [smem:$0x3FFB];
	_ =	sdelay $0x3  }
0x92: {  	_ =	strace s18  }
0x93: {  	s3 =	sld [smem:$0x3FFC];
	_ =	sdelay $0x3  }
0x94: {  	_ =	strace s3  }
0x95: {  	s3 =	sld [smem:$0x3FFD];
	_ =	sdelay $0x3  }
0x96: {  	_ =	strace s3  }
0x97: {  	_ =	strace $0x8FFFFFFF  }
0x98: {  	s19 =	sld [smem:$0x3FDB];
	_ =	sdelay $0x1  }
0x99: {  	s4 =	simm.s32 $_scs_section_size  }
0x9a: {  	s5 =	simm.s32 $_size__tile_overlayer_lowered;
	s6 =	simm.s32 $_tile_overlayer_lowered  }
0x9b: {  	s22 =	simm.s32 $0x1BFF;
	s21 =	sshll.u32 s6, $0x1;
	s3 =	sadd.s32 s4, s19  }
0x9c: {  	s7 =	simm.s32 $0x0;
	s20 =	sshll.u32 s5, $0x1;
	s5 =	sadd.s32 s21, s3  }
0x9d: {  	[timem:s7], [sflag:s22] =	dma.local [hbm:s5], s20  }
0x9e: {  	_ =	swait.ge [sflag:s22], s20  }
0x9f: {  	s4 =	ssub.s32 $0x0, s20;
	[sflag:s22] =	ssyncset.done $0x0  }
0xa0: {  	[sflag:s22] =	ssyncadd.s32 s4;
	_ =	sdelay $0x1  }
0xa1: {  	s23 =	simm.s32 $0x1B8B  }
0xa2: {  	_ =	swait.ge [sflag:s23], $0x1  }
0xa3: {  	[sflag:s23] =	ssyncset.done $0x0  }
0xa4: {  	s25 =	simm.s32 $0x1B8E;
	s24 =	sld [smem:$0x3FFE];
	[sflag:s23] =	ssyncadd.s32 $0xFFFFFFFF  }
0xa5: {  	s26 =	simm.s32 $execute0_lowered;
	[smem:$0x3FD2] =	sst s25  }
0xa6: {  	s5 =	sshll.u32 s26, $0x1;
	_ =	strace $0x80000049;
	[dreg:$0x1] =	wrdreg $0xFFFFFFFF  }
0xa7: {  	s28 =	simm.s32 $_size_execute0_lowered;
	s3 =	sadd.s32 s3, s5;
	[dreg:$0x0] =	wrdreg $0x0  }
0xa8: {  	s5 =	sshll.u32 s28, $0x1;
	[dreg:$0x2] =	wrdreg s3  }
0xa9: {  	[dreg:$0x3] =	wrdreg s5  }
0xaa: {  	[dreg:$0x4] =	wrdreg $0xC0  }
0xab: {  	_ =	task [dreg:s7], $0x5FFFF  }
0xac: {  	[dreg:$0x1] =	wrdreg $0xFFFFFFFF  }
0xad: {  	[dreg:$0x0] =	wrdreg $0x60  }
0xae: {  	[dreg:$0x2] =	wrdreg s2  }
0xaf: {  	[dreg:$0x3] =	wrdreg s24  }
0xb0: {  	[dreg:$0x4] =	wrdreg $0xA8000  }
0xb1: {  	[dreg:$0x5] =	wrdreg $0x9  }
0xb2: {  	_ =	task.clear_ibuf [dreg:s7], $0x6FFFF;
	_ =	strace $0x90000049  }
0xb3: {  	s29 =	simm.s32 $0x9;
	_ =	strace $0x8000004B  }
0xb4: {  	_ =	swait.ge [sflag:s29], $0x1  }
0xb5: {  	[sflag:s29] =	ssyncadd.s32 $0xFFFFFFFF  }
0xb6: {  	_ =	strace $0x9000004B  }
0xb7: {  	_ =	sfence  }
0xb8: {  	s30 =	sld [smem:$0x0];
	_ =	sdelay $0x2  }
0xb9: {  	s31 =	sshll.u32 s1, $0xD;
	s1 =	sshrl.u32 s1, $0x2  }
0xba: {  	s3 =	sand.u32 $0x4000, s31;
	s1 =	sadd.s32 s1, s30  }
0xbb: {  	s0 =	sor.u32 s3, s0;
	s1 =	sshll.u32 s1, $0x11  }
0xbc: {  	s0 =	sor.u32 s1, s0  }
0xbd: {  	s0 =	sadd.s32 $0x8F2B, s0  }
0xbe: {  	[sflag:s0] =	ssyncadd.remote.s32 $0x1  }
0xbf: {  	_ =	sfence.sel $0xFFFF  }
0xc0: {  	[dreg:$0x0] =	wrdreg $0xFFFFFFFF;
	(pc) =	sbr.abs _section_cstart, $3  }
0xc1: {  	[dreg:$0x1] =	wrdreg $0xFFFFFFFF  }
0xc2: {  	_ =	task.clear_ibuf [dreg:s7], $0x2FFFF;
	_ =	strace $0x9FFFFFFF  }
0xc3: {  	(tm) =	ssettm $0x7FFFFFFF  }
tec
execute0_lowered:
.L_overlay_start_1:
0x0: {  	(tag) =	ssettag $0x1  }
0x1: {  	s1 =	rddreg [dreg:$0x0]  }
0x2: {  	s16 =	rddreg [dreg:$0x1]  }
0x3: {  	s2 =	rddreg [dreg:$0x2]  }
0x4: {  	s0 =	rddreg [dreg:$0x3];
	s3 =	simm.s32 $0x0;
	s4 =	srdreg.scid  }
0x5: {  	s21 =	simm.s32 $0x80;
	s22 =	simm.s32 $0x6800;
	s26 =	simm.s32 $0x2780  }
0x6: {  	s28 =	simm.s32 $0x0;
	[smem:$0x7FF] =	sst s3;
	s6 =	sand.u32 $0x1, s4  }
0x7: {  	s15 =	sadd.s32 $0x2C00, s16;
	s4 =	stileid.u32;
	s19 =	sadd.s32 $0x16600, s16  }
0x8: {  	s5 =	sadd.s32 $0x17000, s16;
	s18 =	sadd.s32 $0x16B00, s16;
	s7 =	smul.u32 $0x28000, s6  }
0x9: {  	s23 =	sadd.s32 $0x16880, s16;
	_ =	strace $0x8000004A;
	s9 =	smul.u32 $0x50000, s4  }
0xa: {  	s8 =	ssub.s32 $0x2, s6;
	s6 =	sshll.u32 s6, $0x4;
	s25 =	smul.u32 $0x2800, s4  }
0xb: {  	s30 =	sshrl.u32 s8, $0x1;
	s17 =	sor.u32 s4, s6;
	s10 =	sadd.s32 s7, s16  }
0xc: {  	s8 =	ssub.s32 s8, s30;
	s31 =	sshrl.u32 s9, $0x2;
	s7 =	sadd.s32 $0xC880, s16  }
0xd: {  	s20 =	smul.u32 $0x500, s17;
	p0 =	seq.s32 s17, $0x1F;
	s16 =	simm.s32 $0x2800  }
0xe: {  	s17 =	simm.s32 $0x3;
	s6 =	sadd.s32 s31, s2;
	s24 =	sadd.s32 $0x17800, s10  }
0xf: {  	s8 =	smax.u32 s8, $0x1;
	s7 =	smov.u32 @p0 s18;
	s18 =	simm.s32 $0x1  }
0x10: {  	s9 =	sadd.s32 $0x4000, s6;
	s10 =	sadd.s32 $0x8000, s6;
	s11 =	sadd.s32 $0xC000, s6  }
0x11: {  	s12 =	sadd.s32 $0x280, s20;
	s13 =	sadd.s32 $0x10000, s6;
	s14 =	sadd.s32 s15, s20  }
0x12: {  	s20 =	simm.s32 @p0 $0x0;
	s24 =	sadd.s32 s25, s24;
	s25 =	simm.s32 $0x2700  }
0x13: {  	s15 =	sadd.s32 s15, s12;
	s14 =	smov.u32 @p0 s19;
	s19 =	sadd.s32 s20, s7  }
0x14: {  	s20 =	simm.s32 $0x1400;
	s15 =	smov.u32 @p0 s23;
	s23 =	simm.s32 $0x2  }
.LBB2_1:
0x15: {  	[tilespmem:s16], [sflag:$0x3] =	stream.linear.gather [hbm4b:s5+s3], $0x4000, $0x38;
	[tilespmem:$0x1E800] =	vst v63  }
0x16: {  	_ =	swait.ge [sflag:s17], $0x4000  }
0x17: {  	[sflag:s17] =	ssyncset.done $0x0  }
0x18: {  	[sflag:s17] =	ssyncadd.s32 $0xFFFFC000  }
0x19: {  	[spmem:s6] =	stream.linear.scatter [tilespmem:s16], [sflag:$0x1], $0x4000, $0x38;
	[tilespmem:$0x1E800] =	vst v63  }
0x1a: {  	_ = 	snop  }
0x1b: {  	[spmem:s9] =	stream.linear.scatter [tilespmem:s16], [sflag:$0x1], $0x4000, $0x38;
	[tilespmem:$0x1E800] =	vst v63  }
0x1c: {  	_ = 	snop  }
0x1d: {  	[spmem:s10] =	stream.linear.scatter [tilespmem:s16], [sflag:$0x1], $0x4000, $0x38;
	[tilespmem:$0x1E800] =	vst v63  }
0x1e: {  	_ = 	snop  }
0x1f: {  	[spmem:s11] =	stream.linear.scatter [tilespmem:s16], [sflag:$0x1], $0x4000, $0x38;
	[tilespmem:$0x1E800] =	vst v63  }
0x20: {  	_ = 	snop  }
0x21: {  	[spmem:s13] =	stream.linear.scatter [tilespmem:s16], [sflag:$0x1], $0x4000, $0x38;
	[tilespmem:$0x1E800] =	vst v63  }
0x22: {  	_ =	swait.ge [sflag:s18], $0x4000  }
0x23: {  	[sflag:s18] =	ssyncset.done $0x0  }
0x24: {  	[sflag:s18] =	ssyncadd.s32 $0xFFFFC000  }
0x25: {  	_ =	swait.ge [sflag:s18], $0x4000  }
0x26: {  	[sflag:s18] =	ssyncset.done $0x0  }
0x27: {  	[sflag:s18] =	ssyncadd.s32 $0xFFFFC000  }
0x28: {  	_ =	swait.ge [sflag:s18], $0x4000  }
0x29: {  	[sflag:s18] =	ssyncset.done $0x0  }
0x2a: {  	[sflag:s18] =	ssyncadd.s32 $0xFFFFC000  }
0x2b: {  	_ =	swait.ge [sflag:s18], $0x4000  }
0x2c: {  	[sflag:s18] =	ssyncset.done $0x0  }
0x2d: {  	[sflag:s18] =	ssyncadd.s32 $0xFFFFC000  }
0x2e: {  	_ =	swait.ge [sflag:s18], $0x4000  }
0x2f: {  	[sflag:s18] =	ssyncset.done $0x0  }
0x30: {  	[sflag:s18] =	ssyncadd.s32 $0xFFFFC000  }
0x31: {  	[bflag:$0x0] =	sbarrier.arrive $0xFFFF  }
0x32: {  	[tilespmem:s3], [sflag:$0x3] =	stream.linear.gather [hbm4b:s14+s3], $0x1400, $0x38;
	[tilespmem:$0x1E800] =	vst v63  }
0x33: {  	_ =	swait.ge [sflag:s17], $0x1400  }
0x34: {  	[sflag:s17] =	ssyncset.done $0x0  }
0x35: {  	[sflag:s17] =	ssyncadd.s32 $0xFFFFEC00  }
0x36: {  	[tilespmem:s20], [sflag:$0x3] =	stream.linear.gather [hbm4b:s19+s3], $0x1400, $0x38;
	[tilespmem:$0x1E800] =	vst v63  }
0x37: {  	_ =	swait.ge [sflag:s17], $0x1400  }
0x38: {  	[sflag:s17] =	ssyncset.done $0x0  }
0x39: {  	[sflag:s17] =	ssyncadd.s32 $0xFFFFEC00  }
0x3a: {  	[tilespmem:s16], [sflag:$0x1] =	stream.indirect.gather [hbm4b:s1+s21], $0x80, s3, s21, $0xb8;
	[tilespmem:$0x1E800] =	vst v63  }
0x3b: {  	_ = 	snop  }
0x3c: {  	[tilespmem:s22], [sflag:$0x2] =	stream.indirect.gather [hbm4b:s1+s21], $0x80, s21, s21, $0xb8;
	[tilespmem:$0x1E800] =	vst v63  }
0x3d: {  	_ =	swait.ge [sflag:s18], $0x4000  }
0x3e: {  	[sflag:s18] =	ssyncset.done $0x0  }
0x3f: {  	s29 =	simm.s32 $0x1400;
	[sflag:s18] =	ssyncadd.s32 $0xFFFFC000  }
0x40: {  	[spmem:s2] =	stream.indirect.scatter.add.f32 [tilespmem:s16], [sflag:$0x3], $0x80, s29, s21, $0xb8;
	[tilespmem:$0x1E800] =	vst v63  }
0x41: {  	_ =	swait.ge [sflag:s17], $0x4000  }
0x42: {  	[sflag:s17] =	ssyncset.done $0x0  }
0x43: {  	s29 =	simm.s32 $0x100;
	[sflag:s17] =	ssyncadd.s32 $0xFFFFC000  }
0x44: {  	[tilespmem:s16], [sflag:$0x1] =	stream.indirect.gather [hbm4b:s1+s21], $0x80, s29, s21, $0xb8;
	[tilespmem:$0x1E800] =	vst v63  }
0x45: {  	_ =	swait.ge [sflag:s23], $0x4000  }
0x46: {  	[sflag:s23] =	ssyncset.done $0x0  }
0x47: {  	s29 =	simm.s32 $0x1480;
	[sflag:s23] =	ssyncadd.s32 $0xFFFFC000  }
0x48: {  	[spmem:s2] =	stream.indirect.scatter.add.f32 [tilespmem:s22], [sflag:$0x3], $0x80, s29, s21, $0xb8;
	[tilespmem:$0x1E800] =	vst v63  }
0x49: {  	_ =	swait.ge [sflag:s17], $0x4000  }
0x4a: {  	[sflag:s17] =	ssyncset.done $0x0  }
0x4b: {  	s30 =	simm.s32 $0x180;
	s29 =	simm.s32 $0x400;
	[sflag:s17] =	ssyncadd.s32 $0xFFFFC000  }
.LBB2_2:
0x4c: {  	[tilespmem:s22], [sflag:$0x2] =	stream.indirect.gather [hbm4b:s1+s21], $0x80, s30, s21, $0xb8;
	[tilespmem:$0x1E800] =	vst v63  }
0x4d: {  	s30 =	smov.u32 s29  }
0x4e: {  	p1 =	sne.s32 s29, $0x4800;
	s29 =	sadd.s32 $0x400, s29;
	_ =	swait.ge [sflag:s18], $0x4000  }
0x4f: {  	s30 =	sshra.s32 s30, $0x2;
	[sflag:s18] =	ssyncset.done $0x0  }
0x50: {  	s31 =	sadd.s32 $0x1400, s30;
	[sflag:s18] =	ssyncadd.s32 $0xFFFFC000  }
0x51: {  	[spmem:s2] =	stream.indirect.scatter.add.f32 [tilespmem:s16], [sflag:$0x3], $0x80, s31, s21, $0xb8;
	[tilespmem:$0x1E800] =	vst v63  }
0x52: {  	_ =	swait.ge [sflag:s17], $0x4000  }
0x53: {  	[sflag:s17] =	ssyncset.done $0x0  }
0x54: {  	s31 =	sadd.s32 $0x100, s30;
	[sflag:s17] =	ssyncadd.s32 $0xFFFFC000  }
0x55: {  	[tilespmem:s16], [sflag:$0x1] =	stream.indirect.gather [hbm4b:s1+s21], $0x80, s31, s21, $0xb8;
	[tilespmem:$0x1E800] =	vst v63  }
0x56: {  	_ =	swait.ge [sflag:s23], $0x4000  }
0x57: {  	[sflag:s23] =	ssyncset.done $0x0  }
.Ltmp0:
0x58: {  	s31 =	sadd.s32 $0x1480, s30;
	[sflag:s23] =	ssyncadd.s32 $0xFFFFC000;
	(pc) =	sbr.rel @p1 .LBB2_2-.Ltmp0, $4  }
0x59: {  	[spmem:s2] =	stream.indirect.scatter.add.f32 [tilespmem:s22], [sflag:$0x3], $0x80, s31, s21, $0xb8;
	[tilespmem:$0x1E800] =	vst v63  }
0x5a: {  	_ =	swait.ge [sflag:s17], $0x4000  }
0x5b: {  	[sflag:s17] =	ssyncset.done $0x0  }
0x5c: {  	s30 =	sadd.s32 $0x180, s30;
	[sflag:s17] =	ssyncadd.s32 $0xFFFFC000  }
0x5d: {  	[tilespmem:s22], [sflag:$0x2] =	stream.indirect.gather [hbm4b:s1+s21], $0x80, s30, s21, $0xb8;
	[tilespmem:$0x1E800] =	vst v63  }
0x5e: {  	_ =	swait.ge [sflag:s18], $0x4000  }
0x5f: {  	[sflag:s18] =	ssyncset.done $0x0  }
0x60: {  	[sflag:s18] =	ssyncadd.s32 $0xFFFFC000  }
0x61: {  	[spmem:s2] =	stream.indirect.scatter.add.f32 [tilespmem:s16], [sflag:$0x3], $0x80, s25, s21, $0xb8;
	[tilespmem:$0x1E800] =	vst v63  }
0x62: {  	_ =	swait.ge [sflag:s17], $0x4000  }
0x63: {  	[sflag:s17] =	ssyncset.done $0x0  }
0x64: {  	[sflag:s17] =	ssyncadd.s32 $0xFFFFC000  }
0x65: {  	_ =	swait.ge [sflag:s23], $0x4000  }
0x66: {  	[sflag:s23] =	ssyncset.done $0x0  }
0x67: {  	[sflag:s23] =	ssyncadd.s32 $0xFFFFC000  }
0x68: {  	[spmem:s2] =	stream.indirect.scatter.add.f32 [tilespmem:s22], [sflag:$0x3], $0x80, s26, s21, $0xb8;
	[tilespmem:$0x1E800] =	vst v63  }
0x69: {  	_ =	swait.ge [sflag:s17], $0x4000  }
0x6a: {  	[sflag:s17] =	ssyncset.done $0x0  }
0x6b: {  	s29 =	simm.s32 $0x0;
	[sflag:s17] =	ssyncadd.s32 $0xFFFFC000  }
0x6c: {  	[tilespmem:s29], [sflag:$0x3] =	stream.linear.gather [hbm4b:s15+s29], $0x1400, $0x38;
	[tilespmem:$0x1E800] =	vst v63  }
0x6d: {  	s30 =	smov.u32 s12;
	_ =	swait.ge [sflag:s17], $0x1400  }
0x6e: {  	s30 =	simm.s32 @p0 $0x280;
	[sflag:s17] =	ssyncset.done $0x0  }
0x6f: {  	s30 =	sadd.s32 s30, s7;
	[sflag:s17] =	ssyncadd.s32 $0xFFFFEC00  }
0x70: {  	[tilespmem:s20], [sflag:$0x3] =	stream.linear.gather [hbm4b:s30+s29], $0x1400, $0x38;
	[tilespmem:$0x1E800] =	vst v63  }
0x71: {  	_ =	swait.ge [sflag:s17], $0x1400  }
0x72: {  	[sflag:s17] =	ssyncset.done $0x0  }
0x73: {  	[sflag:s17] =	ssyncadd.s32 $0xFFFFEC00  }
0x74: {  	[tilespmem:s16], [sflag:$0x1] =	stream.indirect.gather [hbm4b:s1+s21], $0x80, s29, s21, $0xb8;
	[tilespmem:$0x1E800] =	vst v63  }
0x75: {  	_ = 	snop  }
0x76: {  	[tilespmem:s22], [sflag:$0x2] =	stream.indirect.gather [hbm4b:s1+s21], $0x80, s21, s21, $0xb8;
	[tilespmem:$0x1E800] =	vst v63  }
0x77: {  	_ =	swait.ge [sflag:s18], $0x4000  }
0x78: {  	[sflag:s18] =	ssyncset.done $0x0  }
0x79: {  	s29 =	simm.s32 $0x1400;
	[sflag:s18] =	ssyncadd.s32 $0xFFFFC000  }
0x7a: {  	[spmem:s2] =	stream.indirect.scatter.add.f32 [tilespmem:s16], [sflag:$0x3], $0x80, s29, s21, $0xb8;
	[tilespmem:$0x1E800] =	vst v63  }
0x7b: {  	_ =	swait.ge [sflag:s17], $0x4000  }
0x7c: {  	[sflag:s17] =	ssyncset.done $0x0  }
0x7d: {  	s29 =	simm.s32 $0x100;
	[sflag:s17] =	ssyncadd.s32 $0xFFFFC000  }
0x7e: {  	[tilespmem:s16], [sflag:$0x1] =	stream.indirect.gather [hbm4b:s1+s21], $0x80, s29, s21, $0xb8;
	[tilespmem:$0x1E800] =	vst v63  }
0x7f: {  	_ =	swait.ge [sflag:s23], $0x4000  }
0x80: {  	[sflag:s23] =	ssyncset.done $0x0  }
0x81: {  	s29 =	simm.s32 $0x1480;
	[sflag:s23] =	ssyncadd.s32 $0xFFFFC000  }
0x82: {  	[spmem:s2] =	stream.indirect.scatter.add.f32 [tilespmem:s22], [sflag:$0x3], $0x80, s29, s21, $0xb8;
	[tilespmem:$0x1E800] =	vst v63  }
0x83: {  	_ =	swait.ge [sflag:s17], $0x4000  }
0x84: {  	[sflag:s17] =	ssyncset.done $0x0  }
0x85: {  	s30 =	simm.s32 $0x180;
	s29 =	simm.s32 $0x400;
	[sflag:s17] =	ssyncadd.s32 $0xFFFFC000  }
.LBB2_4:
0x86: {  	[tilespmem:s22], [sflag:$0x2] =	stream.indirect.gather [hbm4b:s1+s21], $0x80, s30, s21, $0xb8;
	[tilespmem:$0x1E800] =	vst v63  }
0x87: {  	s30 =	smov.u32 s29  }
0x88: {  	p1 =	sne.s32 s29, $0x4800;
	s29 =	sadd.s32 $0x400, s29;
	_ =	swait.ge [sflag:s18], $0x4000  }
0x89: {  	s30 =	sshra.s32 s30, $0x2;
	[sflag:s18] =	ssyncset.done $0x0  }
0x8a: {  	s31 =	sadd.s32 $0x1400, s30;
	[sflag:s18] =	ssyncadd.s32 $0xFFFFC000  }
0x8b: {  	[spmem:s2] =	stream.indirect.scatter.add.f32 [tilespmem:s16], [sflag:$0x3], $0x80, s31, s21, $0xb8;
	[tilespmem:$0x1E800] =	vst v63  }
0x8c: {  	_ =	swait.ge [sflag:s17], $0x4000  }
0x8d: {  	[sflag:s17] =	ssyncset.done $0x0  }
0x8e: {  	s31 =	sadd.s32 $0x100, s30;
	[sflag:s17] =	ssyncadd.s32 $0xFFFFC000  }
0x8f: {  	[tilespmem:s16], [sflag:$0x1] =	stream.indirect.gather [hbm4b:s1+s21], $0x80, s31, s21, $0xb8;
	[tilespmem:$0x1E800] =	vst v63  }
0x90: {  	_ =	swait.ge [sflag:s23], $0x4000  }
0x91: {  	[sflag:s23] =	ssyncset.done $0x0  }
.Ltmp1:
0x92: {  	s31 =	sadd.s32 $0x1480, s30;
	[sflag:s23] =	ssyncadd.s32 $0xFFFFC000;
	(pc) =	sbr.rel @p1 .LBB2_4-.Ltmp1, $4  }
0x93: {  	[spmem:s2] =	stream.indirect.scatter.add.f32 [tilespmem:s22], [sflag:$0x3], $0x80, s31, s21, $0xb8;
	[tilespmem:$0x1E800] =	vst v63  }
0x94: {  	_ =	swait.ge [sflag:s17], $0x4000  }
0x95: {  	[sflag:s17] =	ssyncset.done $0x0  }
0x96: {  	s30 =	sadd.s32 $0x180, s30;
	[sflag:s17] =	ssyncadd.s32 $0xFFFFC000  }
0x97: {  	[tilespmem:s22], [sflag:$0x2] =	stream.indirect.gather [hbm4b:s1+s21], $0x80, s30, s21, $0xb8;
	[tilespmem:$0x1E800] =	vst v63  }
0x98: {  	_ =	swait.ge [sflag:s18], $0x4000  }
0x99: {  	[sflag:s18] =	ssyncset.done $0x0  }
0x9a: {  	[sflag:s18] =	ssyncadd.s32 $0xFFFFC000  }
0x9b: {  	[spmem:s2] =	stream.indirect.scatter.add.f32 [tilespmem:s16], [sflag:$0x3], $0x80, s25, s21, $0xb8;
	[tilespmem:$0x1E800] =	vst v63  }
0x9c: {  	_ =	swait.ge [sflag:s17], $0x4000  }
0x9d: {  	[sflag:s17] =	ssyncset.done $0x0  }
0x9e: {  	[sflag:s17] =	ssyncadd.s32 $0xFFFFC000  }
0x9f: {  	_ =	swait.ge [sflag:s23], $0x4000  }
0xa0: {  	[sflag:s23] =	ssyncset.done $0x0  }
0xa1: {  	[sflag:s23] =	ssyncadd.s32 $0xFFFFC000  }
0xa2: {  	[spmem:s2] =	stream.indirect.scatter.add.f32 [tilespmem:s22], [sflag:$0x3], $0x80, s26, s21, $0xb8;
	[tilespmem:$0x1E800] =	vst v63  }
0xa3: {  	_ =	swait.ge [sflag:s17], $0x4000  }
0xa4: {  	s29 =	sshll.u32 s4, $0x6;
	s28 =	sadd.s32 $0x1, s28;
	[sflag:s17] =	ssyncset.done $0x0  }
0xa5: {  	s31 =	sshrl.u32 s6, $0x3;
	p1 =	sne.s32 s28, s8;
	[sflag:s17] =	ssyncadd.s32 $0xFFFFC000  }
.Ltmp2:
0xa6: {  	s29 =	sor.u32 $0x1C03, s29;
	[bflag:$0x0] =	sbarrier.arrive $0xFFFF;
	(pc) =	sbr.rel @p1 .LBB2_1-.Ltmp2, $4  }
0xa7: {  	[hbm:s24], [sflag:s29] =	dma.local [spmem:s31], $0x2800  }
0xa8: {  	_ =	swait.ge [sflag:s17], $0x2800  }
0xa9: {  	[sflag:s17] =	ssyncset.done $0x0  }
0xaa: {  	[sflag:s17] =	ssyncadd.s32 $0xFFFFD800  }
0xab: {  	_ =	sfence.sel $0x180000  }
0xac: {  	[bflag:$0x0] =	sbarrier.arrive $0xFFFF  }
0xad: {  	p0 =	sne.s32 s4, $0x0;
	_ =	strace $0x9000004A  }
0xae: {  	s0 =	sadd.s32 @!p0 $0x100000, s0;
	[bflag:$0x2] =	sbarrier.arrive $0xFFFF  }
0xaf: {  	[sflag:s0] =	ssyncadd.tile.s32 @!p0 $0x1;
	_ =	shalt  }
.Lfunc_end2:
_tile_overlayer_lowered:
.L_overlay_start_2:
0xb0: {  	(tag) =	ssettag $0x2  }
0xb1: {  	s0 =	rddreg [dreg:$0x0];
	s2 =	stileid.u32  }
0xb2: {  	s1 =	rddreg [dreg:$0x1];
	p0 =	sne.s32 s2, $0x0  }
0xb3: {  	s3 =	rddreg [dreg:$0x2];
	[bflag:$0x3] =	sbarrier.arrive $0xFFFF;
	s2 =	simm.s32 @!p0 $0x1C03  }
0xb4: {  	[timem:s3], [sflag:s2] =	dma.local @!p0 [hbm:s0], s1  }
0xb5: {  	s0 =	simm.s32 @!p0 $0x3  }
0xb6: {  	_ =	swait.ge @!p0 [sflag:s0], s1  }
0xb7: {  	s1 =	ssub.s32 @!p0 $0x0, s1;
	[sflag:s0] =	ssyncset.done @!p0 $0x0  }
0xb8: {  	[sflag:s0] =	ssyncadd.s32 @!p0 s1  }
0xb9: {  	[bflag:$0x3] =	sbarrier.arrive $0xFFFF  }
0xba: {  	_ =	shalt  }

// kernel: kernel.15.cloned.1.call-start
scs
__scs_entry_jumppad:
0x0: {  	(pc) =	sbr.rel $0x88, $3  }
0x1: {  	(tag) =	ssettag $0x0;
	lr =	simm.s32 $0x1  }
0x2: {  	[smem:$0x3F9B] =	sst lr;
	_ =	strace $0xD0000000  }
0x3: {  	_ = 	snop  }
0x4: {  	_ = 	snop  }
0x5: {  	_ = 	snop  }
0x6: {  	_ = 	snop  }
0x7: {  	_ = 	snop  }
__scs_overlays_trampoline_lowered:
0x8: {  	[smem:$0x3FAA] =	sst s0  }
0x9: {  	[smem:$0x3FAB] =	sst s1  }
0xa: {  	[smem:$0x3FAC] =	sst s2  }
0xb: {  	[smem:$0x3FAD] =	sst s3  }
0xc: {  	[smem:$0x3FAE] =	sst s4  }
0xd: {  	[smem:$0x3FAF] =	sst s5  }
0xe: {  	[smem:$0x3FB0] =	sst s6  }
0xf: {  	[smem:$0x3FB1] =	sst s7  }
0x10: {  	[smem:$0x3FB2] =	sst s8  }
0x11: {  	[smem:$0x3FB3] =	sst s9;
	s0 =	simm.s32 @!p0 $0x0  }
0x12: {  	s1 =	sld [smem:$0x3F99];
	s0 =	simm.s32 @p0 $0x1  }
0x13: {  	[smem:$0x3FB4] =	sst s0;
	s0 =	simm.s32 @!p1 $0x0  }
0x14: {  	s2 =	sld [smem:$0x3F98];
	s0 =	simm.s32 @p1 $0x1  }
0x15: {  	[smem:$0x3FB5] =	sst s0;
	s0 =	simm.s32 @!p2 $0x0  }
0x16: {  	s3 =	sld [smem:$0x3FDB];
	s0 =	simm.s32 @p2 $0x1  }
0x17: {  	s4 =	simm.s32 $0x1BF5;
	[smem:$0x3FB7] =	sst s0  }
0x18: {  	s0 =	sld [smem:$0x3F9A];
	_ =	swait.ge [sflag:s4], $0x0  }
0x19: {  	s7 =	sld [smem:$0x3F9B]  }
0x1a: {  	s8 =	sadd.s32 $0xFFFFE003, lr  }
0x1b: {  	s9 =	sadd.s32 $0xFFFFFEF7, lr;
	s5 =	simm.s32 $0xFFFFFFFF;
	p2 =	slt.u32 s8, $0xFFFFF086  }
0x1c: {  	p1 =	slt.u32 s9, $0xF7A;
	s5 =	simm.s32 @!p2 $0x0  }
0x1d: {  	s5 =	simm.s32 @p1 $0x1;
	p0 =	seq.s32 s7, s2  }
0x1e: {  	s7 =	smul.u32 @!p0 $0xF7A, s2;
	p2 =	seq.s32 @!p0 s5, $0x0  }
0x1f: {  	s9 =	smul.u32 $0xF7A, s1;
	s8 =	simm.s32 @!p0 $0x1BF5;
	p2 =	por !p2, p0  }
0x20: {  	[sflag:s8] =	ssyncset.s32 @!p0 $0xFFFFF086;
	s6 =	sadd.s32 @!p0 s3, s7;
	s7 =	simm.s32 @!p0 $0x108  }
0x21: {  	s3 =	sadd.s32 s3, s9;
	s6 =	sadd.s32 @!p0 $0x88, s6;
	s7 =	simm.s32 @p2 $0x1082  }
0x22: {  	[simem:s7], [sflag:s8] =	dma.local @!p0 [hbm:s6], $0xF7A  }
0x23: {  	s9 =	sor.u32 $0xD0000000, s2;
	s6 =	simm.s32 $0x108;
	_ =	swait.ge @!p0 [sflag:s8], $0x0  }
0x24: {  	s3 =	sadd.s32 $0x88, s3;
	s6 =	simm.s32 @!p1 $0x1082;
	[sflag:s4] =	ssyncset.s32 $0xFFFFF086  }
0x25: {  	[simem:s6], [sflag:s4] =	dma.local [hbm:s3], $0xF7A  }
0x26: {  	[smem:$0x3F9B] =	sst s1;
	(tag) =	ssettag s2;
	_ =	strace s9  }
0x27: {  	s1 =	sld [smem:$0x3FAB]  }
0x28: {  	s2 =	sld [smem:$0x3FAC]  }
0x29: {  	s4 =	sld [smem:$0x3FAE]  }
0x2a: {  	p0 =	seq.s32 s5, $0x0;
	s5 =	sld [smem:$0x3FAF]  }
0x2b: {  	s6 =	sld [smem:$0x3FB0]  }
0x2c: {  	s7 =	sld [smem:$0x3FB1]  }
0x2d: {  	s3 =	simm.s32 $0x108;
	s8 =	sld [smem:$0x3FB2]  }
0x2e: {  	s3 =	simm.s32 @!p0 $0x1082;
	s9 =	sld [smem:$0x3FB3]  }
0x2f: {  	lr =	sadd.s32 s0, s3;
	s0 =	sld [smem:$0x3FAA]  }
0x30: {  	s3 =	sld [smem:$0x3FAD]  }
0x31: {  	[smem:$0x3FB6] =	sst s10  }
0x32: {  	s10 =	sld [smem:$0x3FB4];
	_ =	sdelay $0x3  }
0x33: {  	p0 =	seq.s32 s10, $0x1;
	s10 =	sld [smem:$0x3FB6];
	_ =	sdelay $0x3  }
0x34: {  	[smem:$0x3FB6] =	sst s10  }
0x35: {  	s10 =	sld [smem:$0x3FB5];
	_ =	sdelay $0x3  }
0x36: {  	p1 =	seq.s32 s10, $0x1;
	s10 =	sld [smem:$0x3FB6];
	_ =	sdelay $0x3  }
0x37: {  	[smem:$0x3FB6] =	sst s10  }
0x38: {  	s10 =	sld [smem:$0x3FB7]  }
0x39: {  	_ = 	snop;
	(pc) =	sbr.ind lr, $3  }
0x3a: {  	_ = 	snop  }
0x3b: {  	_ = 	snop  }
0x3c: {  	p2 =	seq.s32 s10, $0x1;
	s10 =	sld [smem:$0x3FB6]  }
0x3d: {  	_ =	shalt  }
0x3e: {  	_ =	shalt  }
0x3f: {  	_ =	shalt  }
0x40: {  	_ =	shalt  }
0x41: {  	_ =	shalt  }
0x42: {  	_ =	shalt  }
0x43: {  	_ =	shalt  }
0x44: {  	_ =	shalt  }
0x45: {  	_ =	shalt  }
0x46: {  	_ =	shalt  }
0x47: {  	_ =	shalt  }
0x48: {  	_ =	shalt  }
0x49: {  	_ =	shalt  }
0x4a: {  	_ =	shalt  }
0x4b: {  	_ =	shalt  }
0x4c: {  	_ =	shalt  }
0x4d: {  	_ =	shalt  }
0x4e: {  	_ =	shalt  }
0x4f: {  	_ =	shalt  }
0x50: {  	_ =	shalt  }
0x51: {  	_ =	shalt  }
0x52: {  	_ =	shalt  }
0x53: {  	_ =	shalt  }
0x54: {  	_ =	shalt  }
0x55: {  	_ =	shalt  }
0x56: {  	_ =	shalt  }
0x57: {  	_ =	shalt  }
0x58: {  	_ =	shalt  }
0x59: {  	_ =	shalt  }
0x5a: {  	_ =	shalt  }
0x5b: {  	_ =	shalt  }
0x5c: {  	_ =	shalt  }
0x5d: {  	_ =	shalt  }
0x5e: {  	_ =	shalt  }
0x5f: {  	_ =	shalt  }
0x60: {  	_ =	shalt  }
0x61: {  	_ =	shalt  }
0x62: {  	_ =	shalt  }
0x63: {  	_ =	shalt  }
0x64: {  	_ =	shalt  }
0x65: {  	_ =	shalt  }
0x66: {  	_ =	shalt  }
0x67: {  	_ =	shalt  }
0x68: {  	_ =	shalt  }
0x69: {  	_ =	shalt  }
0x6a: {  	_ =	shalt  }
0x6b: {  	_ =	shalt  }
0x6c: {  	_ =	shalt  }
0x6d: {  	_ =	shalt  }
0x6e: {  	_ =	shalt  }
0x6f: {  	_ =	shalt  }
0x70: {  	_ =	shalt  }
0x71: {  	_ =	shalt  }
0x72: {  	_ =	shalt  }
0x73: {  	_ =	shalt  }
0x74: {  	_ =	shalt  }
0x75: {  	_ =	shalt  }
0x76: {  	_ =	shalt  }
0x77: {  	_ =	shalt  }
0x78: {  	_ =	shalt  }
0x79: {  	_ =	shalt  }
0x7a: {  	_ =	shalt  }
0x7b: {  	_ =	shalt  }
0x7c: {  	_ =	shalt  }
0x7d: {  	_ =	shalt  }
0x7e: {  	_ =	shalt  }
0x7f: {  	_ =	shalt  }
0x80: {  	_ =	shalt  }
0x81: {  	_ =	shalt  }
0x82: {  	_ =	shalt  }
0x83: {  	_ =	shalt  }
0x84: {  	_ =	shalt  }
0x85: {  	_ =	shalt  }
0x86: {  	_ =	shalt  }
0x87: {  	_ =	shalt  }
.Lfunc_end0:
.L_simem_size_0:
called_computation.2_lowered:
.L_overlay_start_0:
0x88: {  	s2 =	sld [smem:$0x3FD9]  }
0x89: {  	s3 =	sld [smem:$0x3FFE];
	_ =	sdelay $0x1  }
0x8a: {  	s1 =	srdreg.scid  }
0x8b: {  	s0 =	sand.u32 $0x1, s1  }
0x8c: {  	s17 =	sshll.u32 s0, $0xA;
	s2 =	sadd.s32 s3, s2  }
0x8d: {  	s2 =	sadd.s32 s2, s17  }
0x8e: {  	[smem:$0x3FC2] =	sst s2  }
0x8f: {  	_ = 	snop  }
0x90: {  	s2 =	sld [smem:$0x3FD0];
	(tm) =	ssettm $0x1  }
0x91: {  	s18 =	sld [smem:$0x3FFB];
	_ =	sdelay $0x3  }
0x92: {  	_ =	strace s18  }
0x93: {  	s3 =	sld [smem:$0x3FFC];
	_ =	sdelay $0x3  }
0x94: {  	_ =	strace s3  }
0x95: {  	s3 =	sld [smem:$0x3FFD];
	_ =	sdelay $0x3  }
0x96: {  	_ =	strace s3  }
0x97: {  	_ =	strace $0x8FFFFFFF  }
0x98: {  	s19 =	sld [smem:$0x3FDB];
	_ =	sdelay $0x1  }
0x99: {  	s4 =	simm.s32 $_scs_section_size  }
0x9a: {  	s5 =	simm.s32 $_size__tile_overlayer_lowered;
	s6 =	simm.s32 $_tile_overlayer_lowered  }
0x9b: {  	s22 =	simm.s32 $0x1BFF;
	s21 =	sshll.u32 s6, $0x1;
	s3 =	sadd.s32 s4, s19  }
0x9c: {  	s7 =	simm.s32 $0x0;
	s20 =	sshll.u32 s5, $0x1;
	s5 =	sadd.s32 s21, s3  }
0x9d: {  	[timem:s7], [sflag:s22] =	dma.local [hbm:s5], s20  }
0x9e: {  	_ =	swait.ge [sflag:s22], s20  }
0x9f: {  	s4 =	ssub.s32 $0x0, s20;
	[sflag:s22] =	ssyncset.done $0x0  }
0xa0: {  	[sflag:s22] =	ssyncadd.s32 s4;
	_ =	sdelay $0x1  }
0xa1: {  	s23 =	simm.s32 $0x1B8B  }
0xa2: {  	_ =	swait.ge [sflag:s23], $0x1  }
0xa3: {  	[sflag:s23] =	ssyncset.done $0x0  }
0xa4: {  	s25 =	simm.s32 $0x1B8E;
	s24 =	sld [smem:$0x3FFE];
	[sflag:s23] =	ssyncadd.s32 $0xFFFFFFFF  }
0xa5: {  	s26 =	simm.s32 $execute0_lowered;
	[smem:$0x3FD2] =	sst s25  }
0xa6: {  	s5 =	sshll.u32 s26, $0x1;
	_ =	strace $0x8000004C;
	[dreg:$0x1] =	wrdreg $0xFFFFFFFF  }
0xa7: {  	s28 =	simm.s32 $_size_execute0_lowered;
	s3 =	sadd.s32 s3, s5;
	[dreg:$0x0] =	wrdreg $0x0  }
0xa8: {  	s5 =	sshll.u32 s28, $0x1;
	[dreg:$0x2] =	wrdreg s3  }
0xa9: {  	[dreg:$0x3] =	wrdreg s5  }
0xaa: {  	[dreg:$0x4] =	wrdreg $0xC0  }
0xab: {  	_ =	task [dreg:s7], $0x5FFFF  }
0xac: {  	[dreg:$0x1] =	wrdreg $0xFFFFFFFF  }
0xad: {  	[dreg:$0x0] =	wrdreg $0x60  }
0xae: {  	[dreg:$0x2] =	wrdreg s2  }
0xaf: {  	[dreg:$0x3] =	wrdreg s24  }
0xb0: {  	[dreg:$0x4] =	wrdreg $0xA8000  }
0xb1: {  	[dreg:$0x5] =	wrdreg $0x9  }
0xb2: {  	_ =	task.clear_ibuf [dreg:s7], $0x6FFFF;
	_ =	strace $0x9000004C  }
0xb3: {  	s29 =	simm.s32 $0x9;
	_ =	strace $0x8000004E  }
0xb4: {  	_ =	swait.ge [sflag:s29], $0x1  }
0xb5: {  	[sflag:s29] =	ssyncadd.s32 $0xFFFFFFFF  }
0xb6: {  	_ =	strace $0x9000004E  }
0xb7: {  	_ =	sfence  }
0xb8: {  	s30 =	sld [smem:$0x0];
	_ =	sdelay $0x2  }
0xb9: {  	s31 =	sshll.u32 s1, $0xD;
	s1 =	sshrl.u32 s1, $0x2  }
0xba: {  	s3 =	sand.u32 $0x4000, s31;
	s1 =	sadd.s32 s1, s30  }
0xbb: {  	s0 =	sor.u32 s3, s0;
	s1 =	sshll.u32 s1, $0x11  }
0xbc: {  	s0 =	sor.u32 s1, s0  }
0xbd: {  	s0 =	sadd.s32 $0x8F2B, s0  }
0xbe: {  	[sflag:s0] =	ssyncadd.remote.s32 $0x1  }
0xbf: {  	_ =	sfence.sel $0xFFFF  }
0xc0: {  	[dreg:$0x0] =	wrdreg $0xFFFFFFFF;
	(pc) =	sbr.abs _section_cstart, $3  }
0xc1: {  	[dreg:$0x1] =	wrdreg $0xFFFFFFFF  }
0xc2: {  	_ =	task.clear_ibuf [dreg:s7], $0x2FFFF;
	_ =	strace $0x9FFFFFFF  }
0xc3: {  	(tm) =	ssettm $0x7FFFFFFF  }
tec
execute0_lowered:
.L_overlay_start_1:
0x0: {  	(tag) =	ssettag $0x1  }
0x1: {  	s1 =	rddreg [dreg:$0x0]  }
0x2: {  	s16 =	rddreg [dreg:$0x1]  }
0x3: {  	s2 =	rddreg [dreg:$0x2]  }
0x4: {  	s0 =	rddreg [dreg:$0x3];
	s3 =	simm.s32 $0x0;
	s4 =	srdreg.scid  }
0x5: {  	s21 =	simm.s32 $0x80;
	s22 =	simm.s32 $0x6800;
	s26 =	simm.s32 $0x2780  }
0x6: {  	s28 =	simm.s32 $0x0;
	[smem:$0x7FF] =	sst s3;
	s6 =	sand.u32 $0x1, s4  }
0x7: {  	s15 =	sadd.s32 $0x2C00, s16;
	s4 =	stileid.u32;
	s19 =	sadd.s32 $0x16600, s16  }
0x8: {  	s5 =	sadd.s32 $0x17000, s16;
	s18 =	sadd.s32 $0x16B00, s16;
	s7 =	smul.u32 $0x28000, s6  }
0x9: {  	s23 =	sadd.s32 $0x16880, s16;
	_ =	strace $0x8000004D;
	s9 =	smul.u32 $0x50000, s4  }
0xa: {  	s8 =	ssub.s32 $0x2, s6;
	s6 =	sshll.u32 s6, $0x4;
	s25 =	smul.u32 $0x2800, s4  }
0xb: {  	s30 =	sshrl.u32 s8, $0x1;
	s17 =	sor.u32 s4, s6;
	s10 =	sadd.s32 s7, s16  }
0xc: {  	s8 =	ssub.s32 s8, s30;
	s31 =	sshrl.u32 s9, $0x2;
	s7 =	sadd.s32 $0xC880, s16  }
0xd: {  	s20 =	smul.u32 $0x500, s17;
	p0 =	seq.s32 s17, $0x1F;
	s16 =	simm.s32 $0x2800  }
0xe: {  	s17 =	simm.s32 $0x3;
	s6 =	sadd.s32 s31, s2;
	s24 =	sadd.s32 $0x17800, s10  }
0xf: {  	s8 =	smax.u32 s8, $0x1;
	s7 =	smov.u32 @p0 s18;
	s18 =	simm.s32 $0x1  }
0x10: {  	s9 =	sadd.s32 $0x4000, s6;
	s10 =	sadd.s32 $0x8000, s6;
	s11 =	sadd.s32 $0xC000, s6  }
0x11: {  	s12 =	sadd.s32 $0x280, s20;
	s13 =	sadd.s32 $0x10000, s6;
	s14 =	sadd.s32 s15, s20  }
0x12: {  	s20 =	simm.s32 @p0 $0x0;
	s24 =	sadd.s32 s25, s24;
	s25 =	simm.s32 $0x2700  }
0x13: {  	s15 =	sadd.s32 s15, s12;
	s14 =	smov.u32 @p0 s19;
	s19 =	sadd.s32 s20, s7  }
0x14: {  	s20 =	simm.s32 $0x1400;
	s15 =	smov.u32 @p0 s23;
	s23 =	simm.s32 $0x2  }
.LBB2_1:
0x15: {  	[tilespmem:s16], [sflag:$0x3] =	stream.linear.gather [hbm4b:s5+s3], $0x4000, $0x38;
	[tilespmem:$0x1E800] =	vst v63  }
0x16: {  	_ =	swait.ge [sflag:s17], $0x4000  }
0x17: {  	[sflag:s17] =	ssyncset.done $0x0  }
0x18: {  	[sflag:s17] =	ssyncadd.s32 $0xFFFFC000  }
0x19: {  	[spmem:s6] =	stream.linear.scatter [tilespmem:s16], [sflag:$0x1], $0x4000, $0x38;
	[tilespmem:$0x1E800] =	vst v63  }
0x1a: {  	_ = 	snop  }
0x1b: {  	[spmem:s9] =	stream.linear.scatter [tilespmem:s16], [sflag:$0x1], $0x4000, $0x38;
	[tilespmem:$0x1E800] =	vst v63  }
0x1c: {  	_ = 	snop  }
0x1d: {  	[spmem:s10] =	stream.linear.scatter [tilespmem:s16], [sflag:$0x1], $0x4000, $0x38;
	[tilespmem:$0x1E800] =	vst v63  }
0x1e: {  	_ = 	snop  }
0x1f: {  	[spmem:s11] =	stream.linear.scatter [tilespmem:s16], [sflag:$0x1], $0x4000, $0x38;
	[tilespmem:$0x1E800] =	vst v63  }
0x20: {  	_ = 	snop  }
0x21: {  	[spmem:s13] =	stream.linear.scatter [tilespmem:s16], [sflag:$0x1], $0x4000, $0x38;
	[tilespmem:$0x1E800] =	vst v63  }
0x22: {  	_ =	swait.ge [sflag:s18], $0x4000  }
0x23: {  	[sflag:s18] =	ssyncset.done $0x0  }
0x24: {  	[sflag:s18] =	ssyncadd.s32 $0xFFFFC000  }
0x25: {  	_ =	swait.ge [sflag:s18], $0x4000  }
0x26: {  	[sflag:s18] =	ssyncset.done $0x0  }
0x27: {  	[sflag:s18] =	ssyncadd.s32 $0xFFFFC000  }
0x28: {  	_ =	swait.ge [sflag:s18], $0x4000  }
0x29: {  	[sflag:s18] =	ssyncset.done $0x0  }
0x2a: {  	[sflag:s18] =	ssyncadd.s32 $0xFFFFC000  }
0x2b: {  	_ =	swait.ge [sflag:s18], $0x4000  }
0x2c: {  	[sflag:s18] =	ssyncset.done $0x0  }
0x2d: {  	[sflag:s18] =	ssyncadd.s32 $0xFFFFC000  }
0x2e: {  	_ =	swait.ge [sflag:s18], $0x4000  }
0x2f: {  	[sflag:s18] =	ssyncset.done $0x0  }
0x30: {  	[sflag:s18] =	ssyncadd.s32 $0xFFFFC000  }
0x31: {  	[bflag:$0x0] =	sbarrier.arrive $0xFFFF  }
0x32: {  	[tilespmem:s3], [sflag:$0x3] =	stream.linear.gather [hbm4b:s14+s3], $0x1400, $0x38;
	[tilespmem:$0x1E800] =	vst v63  }
0x33: {  	_ =	swait.ge [sflag:s17], $0x1400  }
0x34: {  	[sflag:s17] =	ssyncset.done $0x0  }
0x35: {  	[sflag:s17] =	ssyncadd.s32 $0xFFFFEC00  }
0x36: {  	[tilespmem:s20], [sflag:$0x3] =	stream.linear.gather [hbm4b:s19+s3], $0x1400, $0x38;
	[tilespmem:$0x1E800] =	vst v63  }
0x37: {  	_ =	swait.ge [sflag:s17], $0x1400  }
0x38: {  	[sflag:s17] =	ssyncset.done $0x0  }
0x39: {  	[sflag:s17] =	ssyncadd.s32 $0xFFFFEC00  }
0x3a: {  	[tilespmem:s16], [sflag:$0x1] =	stream.indirect.gather [hbm4b:s1+s21], $0x80, s3, s21, $0xb8;
	[tilespmem:$0x1E800] =	vst v63  }
0x3b: {  	_ = 	snop  }
0x3c: {  	[tilespmem:s22], [sflag:$0x2] =	stream.indirect.gather [hbm4b:s1+s21], $0x80, s21, s21, $0xb8;
	[tilespmem:$0x1E800] =	vst v63  }
0x3d: {  	_ =	swait.ge [sflag:s18], $0x4000  }
0x3e: {  	[sflag:s18] =	ssyncset.done $0x0  }
0x3f: {  	s29 =	simm.s32 $0x1400;
	[sflag:s18] =	ssyncadd.s32 $0xFFFFC000  }
0x40: {  	[spmem:s2] =	stream.indirect.scatter.add.f32 [tilespmem:s16], [sflag:$0x3], $0x80, s29, s21, $0xb8;
	[tilespmem:$0x1E800] =	vst v63  }
0x41: {  	_ =	swait.ge [sflag:s17], $0x4000  }
0x42: {  	[sflag:s17] =	ssyncset.done $0x0  }
0x43: {  	s29 =	simm.s32 $0x100;
	[sflag:s17] =	ssyncadd.s32 $0xFFFFC000  }
0x44: {  	[tilespmem:s16], [sflag:$0x1] =	stream.indirect.gather [hbm4b:s1+s21], $0x80, s29, s21, $0xb8;
	[tilespmem:$0x1E800] =	vst v63  }
0x45: {  	_ =	swait.ge [sflag:s23], $0x4000  }
0x46: {  	[sflag:s23] =	ssyncset.done $0x0  }
0x47: {  	s29 =	simm.s32 $0x1480;
	[sflag:s23] =	ssyncadd.s32 $0xFFFFC000  }
0x48: {  	[spmem:s2] =	stream.indirect.scatter.add.f32 [tilespmem:s22], [sflag:$0x3], $0x80, s29, s21, $0xb8;
	[tilespmem:$0x1E800] =	vst v63  }
0x49: {  	_ =	swait.ge [sflag:s17], $0x4000  }
0x4a: {  	[sflag:s17] =	ssyncset.done $0x0  }
0x4b: {  	s30 =	simm.s32 $0x180;
	s29 =	simm.s32 $0x400;
	[sflag:s17] =	ssyncadd.s32 $0xFFFFC000  }
.LBB2_2:
0x4c: {  	[tilespmem:s22], [sflag:$0x2] =	stream.indirect.gather [hbm4b:s1+s21], $0x80, s30, s21, $0xb8;
	[tilespmem:$0x1E800] =	vst v63  }
0x4d: {  	s30 =	smov.u32 s29  }
0x4e: {  	p1 =	sne.s32 s29, $0x4800;
	s29 =	sadd.s32 $0x400, s29;
	_ =	swait.ge [sflag:s18], $0x4000  }
0x4f: {  	s30 =	sshra.s32 s30, $0x2;
	[sflag:s18] =	ssyncset.done $0x0  }
0x50: {  	s31 =	sadd.s32 $0x1400, s30;
	[sflag:s18] =	ssyncadd.s32 $0xFFFFC000  }
0x51: {  	[spmem:s2] =	stream.indirect.scatter.add.f32 [tilespmem:s16], [sflag:$0x3], $0x80, s31, s21, $0xb8;
	[tilespmem:$0x1E800] =	vst v63  }
0x52: {  	_ =	swait.ge [sflag:s17], $0x4000  }
0x53: {  	[sflag:s17] =	ssyncset.done $0x0  }
0x54: {  	s31 =	sadd.s32 $0x100, s30;
	[sflag:s17] =	ssyncadd.s32 $0xFFFFC000  }
0x55: {  	[tilespmem:s16], [sflag:$0x1] =	stream.indirect.gather [hbm4b:s1+s21], $0x80, s31, s21, $0xb8;
	[tilespmem:$0x1E800] =	vst v63  }
0x56: {  	_ =	swait.ge [sflag:s23], $0x4000  }
0x57: {  	[sflag:s23] =	ssyncset.done $0x0  }
.Ltmp0:
0x58: {  	s31 =	sadd.s32 $0x1480, s30;
	[sflag:s23] =	ssyncadd.s32 $0xFFFFC000;
	(pc) =	sbr.rel @p1 .LBB2_2-.Ltmp0, $4  }
0x59: {  	[spmem:s2] =	stream.indirect.scatter.add.f32 [tilespmem:s22], [sflag:$0x3], $0x80, s31, s21, $0xb8;
	[tilespmem:$0x1E800] =	vst v63  }
0x5a: {  	_ =	swait.ge [sflag:s17], $0x4000  }
0x5b: {  	[sflag:s17] =	ssyncset.done $0x0  }
0x5c: {  	s30 =	sadd.s32 $0x180, s30;
	[sflag:s17] =	ssyncadd.s32 $0xFFFFC000  }
0x5d: {  	[tilespmem:s22], [sflag:$0x2] =	stream.indirect.gather [hbm4b:s1+s21], $0x80, s30, s21, $0xb8;
	[tilespmem:$0x1E800] =	vst v63  }
0x5e: {  	_ =	swait.ge [sflag:s18], $0x4000  }
0x5f: {  	[sflag:s18] =	ssyncset.done $0x0  }
0x60: {  	[sflag:s18] =	ssyncadd.s32 $0xFFFFC000  }
0x61: {  	[spmem:s2] =	stream.indirect.scatter.add.f32 [tilespmem:s16], [sflag:$0x3], $0x80, s25, s21, $0xb8;
	[tilespmem:$0x1E800] =	vst v63  }
0x62: {  	_ =	swait.ge [sflag:s17], $0x4000  }
0x63: {  	[sflag:s17] =	ssyncset.done $0x0  }
0x64: {  	[sflag:s17] =	ssyncadd.s32 $0xFFFFC000  }
0x65: {  	_ =	swait.ge [sflag:s23], $0x4000  }
0x66: {  	[sflag:s23] =	ssyncset.done $0x0  }
0x67: {  	[sflag:s23] =	ssyncadd.s32 $0xFFFFC000  }
0x68: {  	[spmem:s2] =	stream.indirect.scatter.add.f32 [tilespmem:s22], [sflag:$0x3], $0x80, s26, s21, $0xb8;
	[tilespmem:$0x1E800] =	vst v63  }
0x69: {  	_ =	swait.ge [sflag:s17], $0x4000  }
0x6a: {  	[sflag:s17] =	ssyncset.done $0x0  }
0x6b: {  	s29 =	simm.s32 $0x0;
	[sflag:s17] =	ssyncadd.s32 $0xFFFFC000  }
0x6c: {  	[tilespmem:s29], [sflag:$0x3] =	stream.linear.gather [hbm4b:s15+s29], $0x1400, $0x38;
	[tilespmem:$0x1E800] =	vst v63  }
0x6d: {  	s30 =	smov.u32 s12;
	_ =	swait.ge [sflag:s17], $0x1400  }
0x6e: {  	s30 =	simm.s32 @p0 $0x280;
	[sflag:s17] =	ssyncset.done $0x0  }
0x6f: {  	s30 =	sadd.s32 s30, s7;
	[sflag:s17] =	ssyncadd.s32 $0xFFFFEC00  }
0x70: {  	[tilespmem:s20], [sflag:$0x3] =	stream.linear.gather [hbm4b:s30+s29], $0x1400, $0x38;
	[tilespmem:$0x1E800] =	vst v63  }
0x71: {  	_ =	swait.ge [sflag:s17], $0x1400  }
0x72: {  	[sflag:s17] =	ssyncset.done $0x0  }
0x73: {  	[sflag:s17] =	ssyncadd.s32 $0xFFFFEC00  }
0x74: {  	[tilespmem:s16], [sflag:$0x1] =	stream.indirect.gather [hbm4b:s1+s21], $0x80, s29, s21, $0xb8;
	[tilespmem:$0x1E800] =	vst v63  }
0x75: {  	_ = 	snop  }
0x76: {  	[tilespmem:s22], [sflag:$0x2] =	stream.indirect.gather [hbm4b:s1+s21], $0x80, s21, s21, $0xb8;
	[tilespmem:$0x1E800] =	vst v63  }
0x77: {  	_ =	swait.ge [sflag:s18], $0x4000  }
0x78: {  	[sflag:s18] =	ssyncset.done $0x0  }
0x79: {  	s29 =	simm.s32 $0x1400;
	[sflag:s18] =	ssyncadd.s32 $0xFFFFC000  }
0x7a: {  	[spmem:s2] =	stream.indirect.scatter.add.f32 [tilespmem:s16], [sflag:$0x3], $0x80, s29, s21, $0xb8;
	[tilespmem:$0x1E800] =	vst v63  }
0x7b: {  	_ =	swait.ge [sflag:s17], $0x4000  }
0x7c: {  	[sflag:s17] =	ssyncset.done $0x0  }
0x7d: {  	s29 =	simm.s32 $0x100;
	[sflag:s17] =	ssyncadd.s32 $0xFFFFC000  }
0x7e: {  	[tilespmem:s16], [sflag:$0x1] =	stream.indirect.gather [hbm4b:s1+s21], $0x80, s29, s21, $0xb8;
	[tilespmem:$0x1E800] =	vst v63  }
0x7f: {  	_ =	swait.ge [sflag:s23], $0x4000  }
0x80: {  	[sflag:s23] =	ssyncset.done $0x0  }
0x81: {  	s29 =	simm.s32 $0x1480;
	[sflag:s23] =	ssyncadd.s32 $0xFFFFC000  }
0x82: {  	[spmem:s2] =	stream.indirect.scatter.add.f32 [tilespmem:s22], [sflag:$0x3], $0x80, s29, s21, $0xb8;
	[tilespmem:$0x1E800] =	vst v63  }
0x83: {  	_ =	swait.ge [sflag:s17], $0x4000  }
0x84: {  	[sflag:s17] =	ssyncset.done $0x0  }
0x85: {  	s30 =	simm.s32 $0x180;
	s29 =	simm.s32 $0x400;
	[sflag:s17] =	ssyncadd.s32 $0xFFFFC000  }
.LBB2_4:
0x86: {  	[tilespmem:s22], [sflag:$0x2] =	stream.indirect.gather [hbm4b:s1+s21], $0x80, s30, s21, $0xb8;
	[tilespmem:$0x1E800] =	vst v63  }
0x87: {  	s30 =	smov.u32 s29  }
0x88: {  	p1 =	sne.s32 s29, $0x4800;
	s29 =	sadd.s32 $0x400, s29;
	_ =	swait.ge [sflag:s18], $0x4000  }
0x89: {  	s30 =	sshra.s32 s30, $0x2;
	[sflag:s18] =	ssyncset.done $0x0  }
0x8a: {  	s31 =	sadd.s32 $0x1400, s30;
	[sflag:s18] =	ssyncadd.s32 $0xFFFFC000  }
0x8b: {  	[spmem:s2] =	stream.indirect.scatter.add.f32 [tilespmem:s16], [sflag:$0x3], $0x80, s31, s21, $0xb8;
	[tilespmem:$0x1E800] =	vst v63  }
0x8c: {  	_ =	swait.ge [sflag:s17], $0x4000  }
0x8d: {  	[sflag:s17] =	ssyncset.done $0x0  }
0x8e: {  	s31 =	sadd.s32 $0x100, s30;
	[sflag:s17] =	ssyncadd.s32 $0xFFFFC000  }
0x8f: {  	[tilespmem:s16], [sflag:$0x1] =	stream.indirect.gather [hbm4b:s1+s21], $0x80, s31, s21, $0xb8;
	[tilespmem:$0x1E800] =	vst v63  }
0x90: {  	_ =	swait.ge [sflag:s23], $0x4000  }
0x91: {  	[sflag:s23] =	ssyncset.done $0x0  }
.Ltmp1:
0x92: {  	s31 =	sadd.s32 $0x1480, s30;
	[sflag:s23] =	ssyncadd.s32 $0xFFFFC000;
	(pc) =	sbr.rel @p1 .LBB2_4-.Ltmp1, $4  }
0x93: {  	[spmem:s2] =	stream.indirect.scatter.add.f32 [tilespmem:s22], [sflag:$0x3], $0x80, s31, s21, $0xb8;
	[tilespmem:$0x1E800] =	vst v63  }
0x94: {  	_ =	swait.ge [sflag:s17], $0x4000  }
0x95: {  	[sflag:s17] =	ssyncset.done $0x0  }
0x96: {  	s30 =	sadd.s32 $0x180, s30;
	[sflag:s17] =	ssyncadd.s32 $0xFFFFC000  }
0x97: {  	[tilespmem:s22], [sflag:$0x2] =	stream.indirect.gather [hbm4b:s1+s21], $0x80, s30, s21, $0xb8;
	[tilespmem:$0x1E800] =	vst v63  }
0x98: {  	_ =	swait.ge [sflag:s18], $0x4000  }
0x99: {  	[sflag:s18] =	ssyncset.done $0x0  }
0x9a: {  	[sflag:s18] =	ssyncadd.s32 $0xFFFFC000  }
0x9b: {  	[spmem:s2] =	stream.indirect.scatter.add.f32 [tilespmem:s16], [sflag:$0x3], $0x80, s25, s21, $0xb8;
	[tilespmem:$0x1E800] =	vst v63  }
0x9c: {  	_ =	swait.ge [sflag:s17], $0x4000  }
0x9d: {  	[sflag:s17] =	ssyncset.done $0x0  }
0x9e: {  	[sflag:s17] =	ssyncadd.s32 $0xFFFFC000  }
0x9f: {  	_ =	swait.ge [sflag:s23], $0x4000  }
0xa0: {  	[sflag:s23] =	ssyncset.done $0x0  }
0xa1: {  	[sflag:s23] =	ssyncadd.s32 $0xFFFFC000  }
0xa2: {  	[spmem:s2] =	stream.indirect.scatter.add.f32 [tilespmem:s22], [sflag:$0x3], $0x80, s26, s21, $0xb8;
	[tilespmem:$0x1E800] =	vst v63  }
0xa3: {  	_ =	swait.ge [sflag:s17], $0x4000  }
0xa4: {  	s29 =	sshll.u32 s4, $0x6;
	s28 =	sadd.s32 $0x1, s28;
	[sflag:s17] =	ssyncset.done $0x0  }
0xa5: {  	s31 =	sshrl.u32 s6, $0x3;
	p1 =	sne.s32 s28, s8;
	[sflag:s17] =	ssyncadd.s32 $0xFFFFC000  }
.Ltmp2:
0xa6: {  	s29 =	sor.u32 $0x1C03, s29;
	[bflag:$0x0] =	sbarrier.arrive $0xFFFF;
	(pc) =	sbr.rel @p1 .LBB2_1-.Ltmp2, $4  }
0xa7: {  	[hbm:s24], [sflag:s29] =	dma.local [spmem:s31], $0x2800  }
0xa8: {  	_ =	swait.ge [sflag:s17], $0x2800  }
0xa9: {  	[sflag:s17] =	ssyncset.done $0x0  }
0xaa: {  	[sflag:s17] =	ssyncadd.s32 $0xFFFFD800  }
0xab: {  	_ =	sfence.sel $0x180000  }
0xac: {  	[bflag:$0x0] =	sbarrier.arrive $0xFFFF  }
0xad: {  	p0 =	sne.s32 s4, $0x0;
	_ =	strace $0x9000004D  }
0xae: {  	s0 =	sadd.s32 @!p0 $0x100000, s0;
	[bflag:$0x2] =	sbarrier.arrive $0xFFFF  }
0xaf: {  	[sflag:s0] =	ssyncadd.tile.s32 @!p0 $0x1;
	_ =	shalt  }
.Lfunc_end2:
_tile_overlayer_lowered:
.L_overlay_start_2:
0xb0: {  	(tag) =	ssettag $0x2  }
0xb1: {  	s0 =	rddreg [dreg:$0x0];
	s2 =	stileid.u32  }
0xb2: {  	s1 =	rddreg [dreg:$0x1];
	p0 =	sne.s32 s2, $0x0  }
0xb3: {  	s3 =	rddreg [dreg:$0x2];
	[bflag:$0x3] =	sbarrier.arrive $0xFFFF;
	s2 =	simm.s32 @!p0 $0x1C03  }
0xb4: {  	[timem:s3], [sflag:s2] =	dma.local @!p0 [hbm:s0], s1  }
0xb5: {  	s0 =	simm.s32 @!p0 $0x3  }
0xb6: {  	_ =	swait.ge @!p0 [sflag:s0], s1  }
0xb7: {  	s1 =	ssub.s32 @!p0 $0x0, s1;
	[sflag:s0] =	ssyncset.done @!p0 $0x0  }
0xb8: {  	[sflag:s0] =	ssyncadd.s32 @!p0 s1  }
0xb9: {  	[bflag:$0x3] =	sbarrier.arrive $0xFFFF  }
0xba: {  	_ =	shalt  }

// kernel: kernel.9.cloned.1.call-start
scs
__scs_entry_jumppad:
0x0: {  	(pc) =	sbr.rel $0x88, $3  }
0x1: {  	(tag) =	ssettag $0x0;
	lr =	simm.s32 $0x1  }
0x2: {  	[smem:$0x3F9B] =	sst lr;
	_ =	strace $0xD0000000  }
0x3: {  	_ = 	snop  }
0x4: {  	_ = 	snop  }
0x5: {  	_ = 	snop  }
0x6: {  	_ = 	snop  }
0x7: {  	_ = 	snop  }
__scs_overlays_trampoline_lowered:
0x8: {  	[smem:$0x3FAA] =	sst s0  }
0x9: {  	[smem:$0x3FAB] =	sst s1  }
0xa: {  	[smem:$0x3FAC] =	sst s2  }
0xb: {  	[smem:$0x3FAD] =	sst s3  }
0xc: {  	[smem:$0x3FAE] =	sst s4  }
0xd: {  	[smem:$0x3FAF] =	sst s5  }
0xe: {  	[smem:$0x3FB0] =	sst s6  }
0xf: {  	[smem:$0x3FB1] =	sst s7  }
0x10: {  	[smem:$0x3FB2] =	sst s8  }
0x11: {  	[smem:$0x3FB3] =	sst s9;
	s0 =	simm.s32 @!p0 $0x0  }
0x12: {  	s1 =	sld [smem:$0x3F99];
	s0 =	simm.s32 @p0 $0x1  }
0x13: {  	[smem:$0x3FB4] =	sst s0;
	s0 =	simm.s32 @!p1 $0x0  }
0x14: {  	s2 =	sld [smem:$0x3F98];
	s0 =	simm.s32 @p1 $0x1  }
0x15: {  	[smem:$0x3FB5] =	sst s0;
	s0 =	simm.s32 @!p2 $0x0  }
0x16: {  	s3 =	sld [smem:$0x3FDB];
	s0 =	simm.s32 @p2 $0x1  }
0x17: {  	s4 =	simm.s32 $0x1BF5;
	[smem:$0x3FB7] =	sst s0  }
0x18: {  	s0 =	sld [smem:$0x3F9A];
	_ =	swait.ge [sflag:s4], $0x0  }
0x19: {  	s7 =	sld [smem:$0x3F9B]  }
0x1a: {  	s8 =	sadd.s32 $0xFFFFE003, lr  }
0x1b: {  	s9 =	sadd.s32 $0xFFFFFEF7, lr;
	s5 =	simm.s32 $0xFFFFFFFF;
	p2 =	slt.u32 s8, $0xFFFFF086  }
0x1c: {  	p1 =	slt.u32 s9, $0xF7A;
	s5 =	simm.s32 @!p2 $0x0  }
0x1d: {  	s5 =	simm.s32 @p1 $0x1;
	p0 =	seq.s32 s7, s2  }
0x1e: {  	s7 =	smul.u32 @!p0 $0xF7A, s2;
	p2 =	seq.s32 @!p0 s5, $0x0  }
0x1f: {  	s9 =	smul.u32 $0xF7A, s1;
	s8 =	simm.s32 @!p0 $0x1BF5;
	p2 =	por !p2, p0  }
0x20: {  	[sflag:s8] =	ssyncset.s32 @!p0 $0xFFFFF086;
	s6 =	sadd.s32 @!p0 s3, s7;
	s7 =	simm.s32 @!p0 $0x108  }
0x21: {  	s3 =	sadd.s32 s3, s9;
	s6 =	sadd.s32 @!p0 $0x88, s6;
	s7 =	simm.s32 @p2 $0x1082  }
0x22: {  	[simem:s7], [sflag:s8] =	dma.local @!p0 [hbm:s6], $0xF7A  }
0x23: {  	s9 =	sor.u32 $0xD0000000, s2;
	s6 =	simm.s32 $0x108;
	_ =	swait.ge @!p0 [sflag:s8], $0x0  }
0x24: {  	s3 =	sadd.s32 $0x88, s3;
	s6 =	simm.s32 @!p1 $0x1082;
	[sflag:s4] =	ssyncset.s32 $0xFFFFF086  }
0x25: {  	[simem:s6], [sflag:s4] =	dma.local [hbm:s3], $0xF7A  }
0x26: {  	[smem:$0x3F9B] =	sst s1;
	(tag) =	ssettag s2;
	_ =	strace s9  }
0x27: {  	s1 =	sld [smem:$0x3FAB]  }
0x28: {  	s2 =	sld [smem:$0x3FAC]  }
0x29: {  	s4 =	sld [smem:$0x3FAE]  }
0x2a: {  	p0 =	seq.s32 s5, $0x0;
	s5 =	sld [smem:$0x3FAF]  }
0x2b: {  	s6 =	sld [smem:$0x3FB0]  }
0x2c: {  	s7 =	sld [smem:$0x3FB1]  }
0x2d: {  	s3 =	simm.s32 $0x108;
	s8 =	sld [smem:$0x3FB2]  }
0x2e: {  	s3 =	simm.s32 @!p0 $0x1082;
	s9 =	sld [smem:$0x3FB3]  }
0x2f: {  	lr =	sadd.s32 s0, s3;
	s0 =	sld [smem:$0x3FAA]  }
0x30: {  	s3 =	sld [smem:$0x3FAD]  }
0x31: {  	[smem:$0x3FB6] =	sst s10  }
0x32: {  	s10 =	sld [smem:$0x3FB4];
	_ =	sdelay $0x3  }
0x33: {  	p0 =	seq.s32 s10, $0x1;
	s10 =	sld [smem:$0x3FB6];
	_ =	sdelay $0x3  }
0x34: {  	[smem:$0x3FB6] =	sst s10  }
0x35: {  	s10 =	sld [smem:$0x3FB5];
	_ =	sdelay $0x3  }
0x36: {  	p1 =	seq.s32 s10, $0x1;
	s10 =	sld [smem:$0x3FB6];
	_ =	sdelay $0x3  }
0x37: {  	[smem:$0x3FB6] =	sst s10  }
0x38: {  	s10 =	sld [smem:$0x3FB7]  }
0x39: {  	_ = 	snop;
	(pc) =	sbr.ind lr, $3  }
0x3a: {  	_ = 	snop  }
0x3b: {  	_ = 	snop  }
0x3c: {  	p2 =	seq.s32 s10, $0x1;
	s10 =	sld [smem:$0x3FB6]  }
0x3d: {  	_ =	shalt  }
0x3e: {  	_ =	shalt  }
0x3f: {  	_ =	shalt  }
0x40: {  	_ =	shalt  }
0x41: {  	_ =	shalt  }
0x42: {  	_ =	shalt  }
0x43: {  	_ =	shalt  }
0x44: {  	_ =	shalt  }
0x45: {  	_ =	shalt  }
0x46: {  	_ =	shalt  }
0x47: {  	_ =	shalt  }
0x48: {  	_ =	shalt  }
0x49: {  	_ =	shalt  }
0x4a: {  	_ =	shalt  }
0x4b: {  	_ =	shalt  }
0x4c: {  	_ =	shalt  }
0x4d: {  	_ =	shalt  }
0x4e: {  	_ =	shalt  }
0x4f: {  	_ =	shalt  }
0x50: {  	_ =	shalt  }
0x51: {  	_ =	shalt  }
0x52: {  	_ =	shalt  }
0x53: {  	_ =	shalt  }
0x54: {  	_ =	shalt  }
0x55: {  	_ =	shalt  }
0x56: {  	_ =	shalt  }
0x57: {  	_ =	shalt  }
0x58: {  	_ =	shalt  }
0x59: {  	_ =	shalt  }
0x5a: {  	_ =	shalt  }
0x5b: {  	_ =	shalt  }
0x5c: {  	_ =	shalt  }
0x5d: {  	_ =	shalt  }
0x5e: {  	_ =	shalt  }
0x5f: {  	_ =	shalt  }
0x60: {  	_ =	shalt  }
0x61: {  	_ =	shalt  }
0x62: {  	_ =	shalt  }
0x63: {  	_ =	shalt  }
0x64: {  	_ =	shalt  }
0x65: {  	_ =	shalt  }
0x66: {  	_ =	shalt  }
0x67: {  	_ =	shalt  }
0x68: {  	_ =	shalt  }
0x69: {  	_ =	shalt  }
0x6a: {  	_ =	shalt  }
0x6b: {  	_ =	shalt  }
0x6c: {  	_ =	shalt  }
0x6d: {  	_ =	shalt  }
0x6e: {  	_ =	shalt  }
0x6f: {  	_ =	shalt  }
0x70: {  	_ =	shalt  }
0x71: {  	_ =	shalt  }
0x72: {  	_ =	shalt  }
0x73: {  	_ =	shalt  }
0x74: {  	_ =	shalt  }
0x75: {  	_ =	shalt  }
0x76: {  	_ =	shalt  }
0x77: {  	_ =	shalt  }
0x78: {  	_ =	shalt  }
0x79: {  	_ =	shalt  }
0x7a: {  	_ =	shalt  }
0x7b: {  	_ =	shalt  }
0x7c: {  	_ =	shalt  }
0x7d: {  	_ =	shalt  }
0x7e: {  	_ =	shalt  }
0x7f: {  	_ =	shalt  }
0x80: {  	_ =	shalt  }
0x81: {  	_ =	shalt  }
0x82: {  	_ =	shalt  }
0x83: {  	_ =	shalt  }
0x84: {  	_ =	shalt  }
0x85: {  	_ =	shalt  }
0x86: {  	_ =	shalt  }
0x87: {  	_ =	shalt  }
.Lfunc_end0:
.L_simem_size_0:
called_computation_lowered:
.L_overlay_start_0:
0x88: {  	s2 =	sld [smem:$0x3FD9]  }
0x89: {  	s3 =	sld [smem:$0x3FFE];
	_ =	sdelay $0x1  }
0x8a: {  	s1 =	srdreg.scid  }
0x8b: {  	s0 =	sand.u32 $0x1, s1  }
0x8c: {  	s17 =	sshll.u32 s0, $0xA;
	s2 =	sadd.s32 s3, s2  }
0x8d: {  	s2 =	sadd.s32 s2, s17  }
0x8e: {  	[smem:$0x3FC2] =	sst s2  }
0x8f: {  	_ = 	snop  }
0x90: {  	s2 =	sld [smem:$0x3FD0];
	(tm) =	ssettm $0x1  }
0x91: {  	s18 =	sld [smem:$0x3FFB];
	_ =	sdelay $0x3  }
0x92: {  	_ =	strace s18  }
0x93: {  	s3 =	sld [smem:$0x3FFC];
	_ =	sdelay $0x3  }
0x94: {  	_ =	strace s3  }
0x95: {  	s3 =	sld [smem:$0x3FFD];
	_ =	sdelay $0x3  }
0x96: {  	_ =	strace s3  }
0x97: {  	_ =	strace $0x8FFFFFFF  }
0x98: {  	s19 =	sld [smem:$0x3FDB];
	_ =	sdelay $0x1  }
0x99: {  	s4 =	simm.s32 $_scs_section_size  }
0x9a: {  	s5 =	simm.s32 $_size__tile_overlayer_lowered;
	s6 =	simm.s32 $_tile_overlayer_lowered  }
0x9b: {  	s22 =	simm.s32 $0x1BFF;
	s21 =	sshll.u32 s6, $0x1;
	s3 =	sadd.s32 s4, s19  }
0x9c: {  	s7 =	simm.s32 $0x0;
	s20 =	sshll.u32 s5, $0x1;
	s5 =	sadd.s32 s21, s3  }
0x9d: {  	[timem:s7], [sflag:s22] =	dma.local [hbm:s5], s20  }
0x9e: {  	_ =	swait.ge [sflag:s22], s20  }
0x9f: {  	s4 =	ssub.s32 $0x0, s20;
	[sflag:s22] =	ssyncset.done $0x0  }
0xa0: {  	[sflag:s22] =	ssyncadd.s32 s4;
	_ =	sdelay $0x1  }
0xa1: {  	s23 =	simm.s32 $0x1B8B  }
0xa2: {  	_ =	swait.ge [sflag:s23], $0x1  }
0xa3: {  	[sflag:s23] =	ssyncset.done $0x0  }
0xa4: {  	s25 =	simm.s32 $0x1B8E;
	s24 =	sld [smem:$0x3FFE];
	[sflag:s23] =	ssyncadd.s32 $0xFFFFFFFF  }
0xa5: {  	s26 =	simm.s32 $execute0_lowered;
	[smem:$0x3FD2] =	sst s25  }
0xa6: {  	s5 =	sshll.u32 s26, $0x1;
	_ =	strace $0x80000046;
	[dreg:$0x1] =	wrdreg $0xFFFFFFFF  }
0xa7: {  	s28 =	simm.s32 $_size_execute0_lowered;
	s3 =	sadd.s32 s3, s5;
	[dreg:$0x0] =	wrdreg $0x0  }
0xa8: {  	s5 =	sshll.u32 s28, $0x1;
	[dreg:$0x2] =	wrdreg s3  }
0xa9: {  	[dreg:$0x3] =	wrdreg s5  }
0xaa: {  	[dreg:$0x4] =	wrdreg $0xC0  }
0xab: {  	_ =	task [dreg:s7], $0x5FFFF  }
0xac: {  	[dreg:$0x1] =	wrdreg $0xFFFFFFFF  }
0xad: {  	[dreg:$0x0] =	wrdreg $0x60  }
0xae: {  	[dreg:$0x2] =	wrdreg s24  }
0xaf: {  	[dreg:$0x3] =	wrdreg s2  }
0xb0: {  	[dreg:$0x4] =	wrdreg $0x28800  }
0xb1: {  	[dreg:$0x5] =	wrdreg $0x9  }
0xb2: {  	_ =	task.clear_ibuf [dreg:s7], $0x6FFFF;
	_ =	strace $0x90000046  }
0xb3: {  	s29 =	simm.s32 $0x9;
	_ =	strace $0x80000048  }
0xb4: {  	_ =	swait.ge [sflag:s29], $0x1  }
0xb5: {  	[sflag:s29] =	ssyncadd.s32 $0xFFFFFFFF  }
0xb6: {  	_ =	strace $0x90000048  }
0xb7: {  	_ =	sfence  }
0xb8: {  	s30 =	sld [smem:$0x0];
	_ =	sdelay $0x2  }
0xb9: {  	s31 =	sshll.u32 s1, $0xD;
	s1 =	sshrl.u32 s1, $0x2  }
0xba: {  	s3 =	sand.u32 $0x4000, s31;
	s1 =	sadd.s32 s1, s30  }
0xbb: {  	s0 =	sor.u32 s3, s0;
	s1 =	sshll.u32 s1, $0x11  }
0xbc: {  	s0 =	sor.u32 s1, s0  }
0xbd: {  	s0 =	sadd.s32 $0x8F2B, s0  }
0xbe: {  	[sflag:s0] =	ssyncadd.remote.s32 $0x1  }
0xbf: {  	_ =	sfence.sel $0xFFFF  }
0xc0: {  	[dreg:$0x0] =	wrdreg $0xFFFFFFFF;
	(pc) =	sbr.abs _section_cstart, $3  }
0xc1: {  	[dreg:$0x1] =	wrdreg $0xFFFFFFFF  }
0xc2: {  	_ =	task.clear_ibuf [dreg:s7], $0x2FFFF;
	_ =	strace $0x9FFFFFFF  }
0xc3: {  	(tm) =	ssettm $0x7FFFFFFF  }
tec
execute0_lowered:
.L_overlay_start_1:
0x0: {  	(tag) =	ssettag $0x1  }
0x1: {  	s7 =	rddreg [dreg:$0x0]  }
0x2: {  	s8 =	rddreg [dreg:$0x1]  }
0x3: {  	s2 =	rddreg [dreg:$0x2]  }
0x4: {  	s0 =	rddreg [dreg:$0x3];
	s3 =	simm.s32 $0x0;
	s1 =	stileid.u32  }
0x5: {  	s4 =	srdreg.scid;
	[smem:$0x7FF] =	sst s3  }
0x6: {  	s5 =	smul.u32 $0x280, s1;
	s6 =	sand.u32 $0x1, s4;
	s4 =	sadd.s32 $0x17000, s7  }
0x7: {  	s31 =	sshll.u32 s1, $0x6;
	s15 =	sadd.s32 $0x16B00, s7;
	s17 =	smul.u32 $0xA0, s1  }
0x8: {  	_ =	strace $0x80000047;
	s10 =	ssub.s32 $0x2, s6;
	s12 =	sshll.u32 s6, $0x4  }
0x9: {  	s6 =	sor.u32 $0x1C02, s31;
	s9 =	sshrl.u32 s5, $0x3;
	s11 =	sshrl.u32 s10, $0x1  }
0xa: {  	s30 =	sor.u32 s1, s12;
	s13 =	sadd.s32 s5, s2;
	s16 =	sadd.s32 s8, s12  }
0xb: {  	s12 =	simm.s32 $0x80;
	s9 =	sadd.s32 s9, s7;
	s10 =	ssub.s32 s10, s11  }
0xc: {  	s14 =	smul.u32 $0x500, s30;
	p0 =	seq.s32 s30, $0x1F;
	s8 =	sshrl.u32 s13, $0x3  }
0xd: {  	s11 =	simm.s32 $0x2800;
	s13 =	simm.s32 $0x1;
	s5 =	sadd.s32 $0x17200, s9  }
0xe: {  	s9 =	sadd.s32 $0xC880, s7;
	s7 =	smax.u32 s10, $0x1;
	s10 =	simm.s32 $0x2  }
0xf: {  	s9 =	sadd.s32 @!p0 s14, s9;
	s14 =	sadd.s32 s17, s16;
	s16 =	simm.s32 $0x10  }
0x10: {  	s17 =	simm.s32 $0x0;
	s9 =	smov.u32 @p0 s15;
	s15 =	simm.s32 $0x20  }
.LBB2_1:
0x11: {  	[spmem:s8], [sflag:s6] =	dma.local [hbm:s5], $0x50  }
0x12: {  	_ =	swait.ge [sflag:s10], $0x50  }
0x13: {  	[sflag:s10] =	ssyncset.done $0x0  }
0x14: {  	[sflag:s10] =	ssyncadd.s32 $0xFFFFFFB0  }
0x15: {  	[tilespmem:s11], [sflag:$0x2] =	stream.linear.gather [hbm4b:s4+s3], $0x80, $0x38;
	[tilespmem:$0x2B00] =	vst v63  }
0x16: {  	_ =	swait.ge [sflag:s10], $0x80  }
0x17: {  	[sflag:s10] =	ssyncset.done $0x0  }
0x18: {  	[sflag:s10] =	ssyncadd.s32 $0xFFFFFF80  }
0x19: {  	[tilespmem:s3], [sflag:$0x2] =	stream.linear.gather [hbm4b:s9+s3], $0x2800, $0x38;
	[tilespmem:$0x2B00] =	vst v63  }
0x1a: {  	_ =	swait.ge [sflag:s10], $0x2800  }
0x1b: {  	[sflag:s10] =	ssyncset.done $0x0  }
0x1c: {  	[sflag:s10] =	ssyncadd.s32 $0xFFFFD800  }
0x1d: {  	s18 =	simm.s32 $0x0;
	[bflag:$0x0] =	sbarrier.arrive $0xFFFF  }
.LBB2_2:
0x1e: {  	p0 =	sne.s32 s18, $0x9E00  }
.Ltmp0:
0x1f: {  	_ = 	snop;
	(pc) =	sbr.rel @p0 .LBB2_2-.Ltmp0, $3  }
0x20: {  	_ =	sdelay $0x1  }
0x21: {  	s19 =	sshra.s32 s18, $0x2;
	s18 =	sadd.s32 $0x200, s18  }
0x22: {  	[spmem:s2] =	stream.indirect.scatter.add.f32 [tilespmem:s11], [sflag:$0x1], $0x1, s19, s12, $0xb8;
	[tilespmem:$0x2B00] =	vst v63  }
0x23: {  	_ =	swait.ge [sflag:s13], $0x80  }
0x24: {  	s18 =	simm.s32 $0x4F;
	[sflag:s13] =	ssyncset.done $0x0  }
.LBB2_4:
0x25: {  	p0 =	sne.s32 s18, $0x1;
	s18 =	sadd.s32 $0xFFFFFFFF, s18;
	[sflag:s13] =	ssyncadd.s32 $0xFFFFFF80  }
.Ltmp1:
0x26: {  	(pc) =	sbr.rel @p0 .LBB2_4-.Ltmp1, $3  }
0x27: {  	_ =	sdelay $0x1  }
0x28: {  	_ =	swait.ge [sflag:s13], $0x80  }
0x29: {  	[sflag:s13] =	ssyncset.done $0x0  }
0x2a: {  	s17 =	sadd.s32 $0x1, s17  }
0x2b: {  	[sflag:s13] =	ssyncadd.s32 $0xFFFFFF80;
	p0 =	sne.s32 s17, s7  }
.Ltmp2:
0x2c: {  	[bflag:$0x0] =	sbarrier.arrive $0xFFFF;
	(pc) =	sbr.rel @p0 .LBB2_1-.Ltmp2, $4  }
0x2d: {  	[hbm:s14@s15], [sflag:s6] =	dma.strided [spmem:s8@s16], $0x50, s13, $0x10   }
0x2e: {  	_ =	swait.ge [sflag:s10], $0x50  }
0x2f: {  	[sflag:s10] =	ssyncset.done $0x0  }
0x30: {  	[sflag:s10] =	ssyncadd.s32 $0xFFFFFFB0  }
0x31: {  	_ =	sfence.sel $0x180000  }
0x32: {  	[bflag:$0x0] =	sbarrier.arrive $0xFFFF  }
0x33: {  	p0 =	sne.s32 s1, $0x0;
	_ =	strace $0x90000047  }
0x34: {  	s0 =	sadd.s32 @!p0 $0x100000, s0;
	[bflag:$0x2] =	sbarrier.arrive $0xFFFF  }
0x35: {  	[sflag:s0] =	ssyncadd.tile.s32 @!p0 $0x1;
	_ =	shalt  }
.Lfunc_end2:
_tile_overlayer_lowered:
.L_overlay_start_2:
0x36: {  	(tag) =	ssettag $0x2  }
0x37: {  	s0 =	rddreg [dreg:$0x0];
	s2 =	stileid.u32  }
0x38: {  	s1 =	rddreg [dreg:$0x1];
	p0 =	sne.s32 s2, $0x0  }
0x39: {  	s3 =	rddreg [dreg:$0x2];
	[bflag:$0x3] =	sbarrier.arrive $0xFFFF;
	s2 =	simm.s32 @!p0 $0x1C02  }
0x3a: {  	[timem:s3], [sflag:s2] =	dma.local @!p0 [hbm:s0], s1  }
0x3b: {  	s0 =	simm.s32 @!p0 $0x2  }
0x3c: {  	_ =	swait.ge @!p0 [sflag:s0], s1  }
0x3d: {  	s1 =	ssub.s32 @!p0 $0x0, s1;
	[sflag:s0] =	ssyncset.done @!p0 $0x0  }
0x3e: {  	[sflag:s0] =	ssyncadd.s32 @!p0 s1  }
0x3f: {  	[bflag:$0x3] =	sbarrier.arrive $0xFFFF  }
0x40: {  	_ =	shalt  }

</sc_bundles>
